<compile_context>
chip_gen: v7x
topology: tpu7x:2x2x1
jax: 0.10.2.dev20260603
libtpu: 0.0.44.dev20260713+nightly
codegen_flags: <defaults>
</compile_context>

<pallas_src>
import functools

import jax
import jax.numpy as jnp
from jax import lax
from jax.experimental import pallas as pl
from jax.experimental.pallas import tpu as pltpu
from jax.experimental.pallas import tpu_sc as plsc

_NC = 2
_NS = 16
_NW = _NC * _NS


def _make_sc_gather(B, W):
  assert B % _NW == 0
  bpw = B // _NW
  mesh = plsc.VectorSubcoreMesh(core_axis_name="c", subcore_axis_name="s")

  nch = 4
  ch = bpw // nch

  @functools.partial(
      pl.kernel,
      mesh=mesh,
      out_type=jax.ShapeDtypeStruct((B, W), jnp.float32),
      scratch_types=[
          pltpu.VMEM((bpw,), jnp.int32),
          pltpu.VMEM((ch, W), jnp.float32),
          pltpu.VMEM((ch, W), jnp.float32),
          pltpu.SemaphoreType.DMA,
          pltpu.SemaphoreType.DMA,
      ],
  )
  def gather1(tab_hbm, idx_hbm, out, idx_v, r0, r1, s0, s1):
    wid = lax.axis_index("s") * _NC + lax.axis_index("c")
    base = wid * bpw
    pltpu.sync_copy(idx_hbm.at[pl.ds(base, bpw)], idx_v)
    rows = (r0, r1)
    sems = (s0, s1)
    pend = [None, None]
    for c in range(nch):
      b = c % 2
      pend[b] = pltpu.async_copy(
          tab_hbm.at[idx_v.at[pl.ds(c * ch, ch)]], rows[b], sems[b])
      if c >= 1:
        pb = (c - 1) % 2
        pend[pb].wait()
        pltpu.sync_copy(rows[pb], out.at[pl.ds(base + (c - 1) * ch, ch)])
    lb = (nch - 1) % 2
    pend[lb].wait()
    pltpu.sync_copy(rows[lb], out.at[pl.ds(base + (nch - 1) * ch, ch)])

  return gather1


_WIDEN_C = 2048


def _widen_prod_body(mp_ref, ml_ref, pw_ref):
  cat = jnp.concatenate([mp_ref[...], ml_ref[...]], axis=0)
  i0 = lax.broadcasted_iota(jnp.int32, (128, 128), 0)
  i1 = lax.broadcasted_iota(jnp.int32, (128, 128), 1)
  eye = (i0 == i1).astype(jnp.float32)
  pw_ref[...] = lax.dot_general(cat, eye, (((0,), (0,)), ((), ())),
                                preferred_element_type=jnp.float32)


_UHALF = 51200


def _widen_prod(mpT, mlT):
  D, V = mpT.shape
  C = _WIDEN_C
  return pl.pallas_call(
      _widen_prod_body,
      grid=(pl.cdiv(V, C),),
      in_specs=[pl.BlockSpec((D, C), lambda i: (0, i))] * 2,
      out_specs=pl.BlockSpec((C, 2 * D), lambda i: (i, 0)),
      out_shape=jax.ShapeDtypeStruct((V, 2 * D), jnp.float32),
  )(mpT, mlT)


def _widen_user(uT):
  D, V = uT.shape
  C = _WIDEN_C
  hb = _UHALF // C
  lastb = (V - 1) // C

  def body(a_ref, b_ref, uw_ref):
    i = pl.program_id(0)
    base2 = jnp.minimum(hb + i, lastb) * C
    col = base2 + lax.broadcasted_iota(jnp.int32, (D, C), 1)
    b = jnp.where(col < V, b_ref[...], 0.0)
    cat = jnp.concatenate([a_ref[...], b], axis=0)
    i0 = lax.broadcasted_iota(jnp.int32, (2 * D, 2 * D), 0)
    i1 = lax.broadcasted_iota(jnp.int32, (2 * D, 2 * D), 1)
    eye = (i0 == i1).astype(jnp.float32)
    uw_ref[...] = lax.dot_general(cat, eye, (((0,), (0,)), ((), ())),
                                  preferred_element_type=jnp.float32)

  return pl.pallas_call(
      body,
      grid=(hb,),
      in_specs=[
          pl.BlockSpec((D, C), lambda i: (0, i)),
          pl.BlockSpec((D, C), lambda i: (0, jnp.minimum(hb + i, lastb))),
      ],
      out_specs=pl.BlockSpec((C, 2 * D), lambda i: (i, 0)),
      out_shape=jax.ShapeDtypeStruct((_UHALF, 2 * D), jnp.float32),
  )(uT, uT)


def _ln(x, g, b, eps=1e-5):
  n = x.shape[-1]
  ones = jnp.full((n, 1), 1.0 / n, jnp.float32)
  dn = (((1,), (0,)), ((), ()))
  m = lax.dot_general(x, ones, dn, preferred_element_type=jnp.float32)
  q = lax.dot_general(x * x, ones, dn, preferred_element_type=jnp.float32)
  s = lax.rsqrt(q - m * m + eps)
  sg = lax.dot_general(s, g, dn, preferred_element_type=jnp.float32)
  mg = lax.dot_general(m * s, g, dn, preferred_element_type=jnp.float32)
  return x * sg - mg + b


def _dot_t(x, w):
  return lax.dot_general(x, w, (((1,), (1,)), ((), ())),
                         preferred_element_type=jnp.float32)


def _dot_tb(x, w_bf):
  return lax.dot_general(x.astype(jnp.bfloat16), w_bf,
                         (((1,), (1,)), ((), ())),
                         preferred_element_type=jnp.float32)


def _tc_body(u_rows, p_rows, uflag,
             mf_gb, mlp_gb, wv, wo, bvo, head_w,
             fc_w, fc_vecs, l1_w, l1_vecs, l2_w, l2_vecs,
             out_ref):
  mf_g = mf_gb[0:1, :]
  mf_b = mf_gb[1:2, :]
  mlp_g = mlp_gb[0:1, :]
  mlp_b = mlp_gb[1:2, :]

  uL = u_rows[:, :64]
  uR = u_rows[:, 64:]
  fb = lax.dot_general(uflag[...], jnp.ones((1, 64), jnp.float32),
                       (((1,), (0,)), ((), ())),
                       preferred_element_type=jnp.float32)
  u_mf = uL + fb * (uR - uL)
  p_mf = p_rows[:, :64]
  p_mlp = p_rows[:, 64:]

  mf_vec = _ln(u_mf, mf_g, mf_b) * _ln(p_mf, mf_g, mf_b)
  mf_term = _dot_t(mf_vec, head_w[0:1, :])

  x = _ln(p_mlp, mlp_g, mlp_b)
  a = _dot_tb(x, wv[...]) + bvo[0:1, :]
  a = _dot_tb(a, wo[...]) + bvo[1:2, :]

  h = _ln(jax.nn.relu(_dot_tb(a, fc_w[...]) + fc_vecs[0:1, :]),
          fc_vecs[1:2, :], fc_vecs[2:3, :])
  h = _ln(jax.nn.relu(_dot_tb(h, l1_w[...]) + l1_vecs[0:1, :]),
          l1_vecs[1:2, :], l1_vecs[2:3, :])
  h = _ln(jax.nn.relu(_dot_tb(h, l2_w[...]) + l2_vecs[0:1, :]),
          l2_vecs[1:2, :], l2_vecs[2:3, :])
  mlp_term = _dot_t(h, head_w[1:2, :])

  logit = mf_term + mlp_term + bvo[2, 0]
  blk = logit.shape[0]
  out_ref[...] = jax.nn.sigmoid(logit).reshape(blk // 128, 128)


def _full(shape):
  return pl.BlockSpec(shape, lambda i: (0, 0))


def kernel(params, user_id, product_id):
  p = params
  B = user_id.shape[0]
  D = p["mf_user"].shape[1]

  uid = user_id.astype(jnp.int32)
  pid = product_id.astype(jnp.int32)

  gather = _make_sc_gather(B, 2 * D)
  prod_w = _widen_prod(p["mf_prod"].T, p["mlp_prod"].T)
  p_rows = gather(prod_w, pid)
  user_w = _widen_user(p["mf_user"].T)
  uflag = (uid >= _UHALF)
  uq = jnp.where(uflag, uid - _UHALF, uid)
  u_rows = gather(user_w, uq)
  uflag_f = uflag.astype(jnp.float32)[:, None]

  a = p["attn"]
  f0 = p["final_W"][0, 0]
  f1 = p["final_W"][0, 1]
  bias_total = (f0 * p["mf_out_b"][0] + f1 * p["mlp_out_b"][0]
                + p["final_b"][0])
  head_w = jnp.stack([f0 * p["mf_out_W"][0],
                      f1 * p["mlp_out_W"][0]])

  mf_gb = jnp.stack([p["mf_g"], p["mf_b"]])
  mlp_gb = jnp.stack([p["mlp_g"], p["mlp_b"]])
  bvo = jnp.stack([a["bv"], a["bo"],
                   jnp.full((D,), bias_total, jnp.float32)])
  H0, H1, H2 = p["fc_W"].shape[0], p["l1_W"].shape[0], p["l2_W"].shape[0]
  fc_w = p["fc_W"][:, :D]
  fc_vecs = jnp.stack([p["fc_b"], p["fc_g"], p["fc_beta"]])
  l1_vecs = jnp.stack([p["l1_b"], p["l1_g"], p["l1_beta"]])
  l2_vecs = jnp.stack([p["l2_b"], p["l2_g"], p["l2_beta"]])

  BLK = 4096
  grid = B // BLK
  row_spec = pl.BlockSpec((BLK, 2 * D), lambda i: (i, 0))

  out = pl.pallas_call(
      _tc_body,
      grid=(grid,),
      in_specs=[
          row_spec, row_spec,
          pl.BlockSpec((BLK, 1), lambda i: (i, 0)),
          _full((2, D)), _full((2, D)),
          _full((D, D)), _full((D, D)), _full((3, D)), _full((2, D)),
          _full((H0, D)), _full((3, H0)),
          _full((H1, H0)), _full((3, H1)),
          _full((H2, H1)), _full((3, H2)),
      ],
      out_specs=pl.BlockSpec((BLK // 128, 128), lambda i: (i, 0)),
      out_shape=jax.ShapeDtypeStruct((B // 128, 128), jnp.float32),
  )(u_rows, p_rows, uflag_f,
    mf_gb, mlp_gb,
    a["Wv"].astype(jnp.bfloat16), a["Wo"].astype(jnp.bfloat16), bvo, head_w,
    fc_w.astype(jnp.bfloat16), fc_vecs,
    p["l1_W"].astype(jnp.bfloat16), l1_vecs,
    p["l2_W"].astype(jnp.bfloat16), l2_vecs)
  return out.reshape(B, 1)

# --- scband reference (transcript-rebuilt; emitter-appended) ---
"""Pipeline reference for scband-advanced-ncf-41274635715241 (READ-ONLY COPY).

The authoritative reference and input builder live on the scoring server;
editing this copy changes nothing except your own understanding.
"""

import jax, jax.numpy as jnp
import numpy as np

NUM_USERS = 100000
NUM_PRODUCTS = 100000
MF_DIM = 64
MLP_DIM = 64
TEMPORAL_DIM = 32
HIDDEN = [256, 128, 64]
NUM_HEADS = 4
BATCH = 16384


def _w(key, shape, scale=0.05):
    return jax.random.normal(key, shape, dtype=jnp.float32) * scale


def layer_norm(x, g, b, eps=1e-5):
    m = jnp.mean(x, axis=-1, keepdims=True)
    v = jnp.var(x, axis=-1, keepdims=True)
    return (x - m) / jnp.sqrt(v + eps) * g + b


def mha(q_in, k_in, v_in, p, num_heads=NUM_HEADS):
    B = q_in.shape[0]
    E = q_in.shape[-1]
    hd = E // num_heads
    q = (q_in @ p['Wq'].T + p['bq']).reshape(B, -1, num_heads, hd).transpose(0, 2, 1, 3)
    k = (k_in @ p['Wk'].T + p['bk']).reshape(B, -1, num_heads, hd).transpose(0, 2, 1, 3)
    v = (v_in @ p['Wv'].T + p['bv']).reshape(B, -1, num_heads, hd).transpose(0, 2, 1, 3)
    scores = jnp.einsum('bhqd,bhkd->bhqk', q, k) / jnp.sqrt(jnp.float32(hd))
    attn = jax.nn.softmax(scores, axis=-1)
    out = jnp.einsum('bhqk,bhkd->bhqd', attn, v)
    out = out.transpose(0, 2, 1, 3).reshape(B, -1, E)
    return out @ p['Wo'].T + p['bo']


def forward(params, user_id, product_id):
    p = params
    user_mf = layer_norm(jnp.take(p['mf_user'], user_id, axis=0), p['mf_g'], p['mf_b'])
    prod_mf = layer_norm(jnp.take(p['mf_prod'], product_id, axis=0), p['mf_g'], p['mf_b'])
    user_mlp = layer_norm(jnp.take(p['mlp_user'], user_id, axis=0), p['mlp_g'], p['mlp_b'])
    prod_mlp = layer_norm(jnp.take(p['mlp_prod'], product_id, axis=0), p['mlp_g'], p['mlp_b'])
    mf_vector = user_mf * prod_mf
    mf_pred = mf_vector @ p['mf_out_W'].T + p['mf_out_b']
    attn_out = mha(user_mlp[:, None, :], prod_mlp[:, None, :], prod_mlp[:, None, :], p['attn'])[:, 0, :]
    temporal = jnp.zeros((user_id.shape[0], TEMPORAL_DIM), dtype=jnp.float32)
    combined = jnp.concatenate([attn_out, temporal], axis=1)
    h = layer_norm(jax.nn.relu(combined @ p['fc_W'].T + p['fc_b']), p['fc_g'], p['fc_beta'])
    h = layer_norm(jax.nn.relu(h @ p['l1_W'].T + p['l1_b']), p['l1_g'], p['l1_beta'])
    h = layer_norm(jax.nn.relu(h @ p['l2_W'].T + p['l2_b']), p['l2_g'], p['l2_beta'])
    mlp_pred = h @ p['mlp_out_W'].T + p['mlp_out_b']
    logit = jnp.concatenate([mf_pred, mlp_pred], axis=1) @ p['final_W'].T + p['final_b']
    return jax.nn.sigmoid(logit)


def setup_inputs(seed: int = 0):
    key = jax.random.key(seed)
    ks = jax.random.split(key, 32)
    params = {
        'mf_user': _w(ks[0], (NUM_USERS, MF_DIM)),
        'mf_prod': _w(ks[1], (NUM_PRODUCTS, MF_DIM)),
        'mlp_user': _w(ks[2], (NUM_USERS, MLP_DIM)),
        'mlp_prod': _w(ks[3], (NUM_PRODUCTS, MLP_DIM)),
        'mf_g': jnp.ones((MF_DIM,), jnp.float32),
        'mf_b': jnp.zeros((MF_DIM,), jnp.float32),
        'mlp_g': jnp.ones((MLP_DIM,), jnp.float32),
        'mlp_b': jnp.zeros((MLP_DIM,), jnp.float32),
        'attn': {
            'Wq': _w(ks[4], (MLP_DIM, MLP_DIM)), 'bq': jnp.zeros((MLP_DIM,), jnp.float32),
            'Wk': _w(ks[5], (MLP_DIM, MLP_DIM)), 'bk': jnp.zeros((MLP_DIM,), jnp.float32),
            'Wv': _w(ks[6], (MLP_DIM, MLP_DIM)), 'bv': jnp.zeros((MLP_DIM,), jnp.float32),
            'Wo': _w(ks[7], (MLP_DIM, MLP_DIM)), 'bo': jnp.zeros((MLP_DIM,), jnp.float32),
        },
        'mf_out_W': _w(ks[8], (1, MF_DIM)), 'mf_out_b': jnp.zeros((1,), jnp.float32),
        'fc_W': _w(ks[9], (HIDDEN[0], MLP_DIM + TEMPORAL_DIM)), 'fc_b': jnp.zeros((HIDDEN[0],), jnp.float32),
        'fc_g': jnp.ones((HIDDEN[0],), jnp.float32), 'fc_beta': jnp.zeros((HIDDEN[0],), jnp.float32),
        'l1_W': _w(ks[10], (HIDDEN[1], HIDDEN[0])), 'l1_b': jnp.zeros((HIDDEN[1],), jnp.float32),
        'l1_g': jnp.ones((HIDDEN[1],), jnp.float32), 'l1_beta': jnp.zeros((HIDDEN[1],), jnp.float32),
        'l2_W': _w(ks[11], (HIDDEN[2], HIDDEN[1])), 'l2_b': jnp.zeros((HIDDEN[2],), jnp.float32),
        'l2_g': jnp.ones((HIDDEN[2],), jnp.float32), 'l2_beta': jnp.zeros((HIDDEN[2],), jnp.float32),
        'mlp_out_W': _w(ks[12], (1, HIDDEN[2])), 'mlp_out_b': jnp.zeros((1,), jnp.float32),
        'final_W': _w(ks[13], (1, 2)), 'final_b': jnp.zeros((1,), jnp.float32),
    }
    user_id = jax.random.randint(ks[20], (BATCH,), 0, NUM_USERS)
    product_id = jax.random.randint(ks[21], (BATCH,), 0, NUM_PRODUCTS)
    return {'params': params, 'user_id': user_id, 'product_id': product_id}


def reference(params, user_id, product_id):
    return forward(params, user_id, product_id)

if __name__ == "__main__":
    import jax
    _d = setup_inputs()
    print(jax.jit(kernel)(*tuple(_d.values())))

</pallas_src>

<mosaic_0001>
#map = affine_map<(d0, d1) -> (0, 0)>
#map1 = affine_map<(d0, d1) -> (0)>
module attributes {stable_mosaic.version = 14 : i64} {
  func.func @gather1(%arg0: i32, %arg1: i32, %arg2: memref<51200x128xf32, #tpu.memory_space<hbm>>, %arg3: memref<16384xi32, #tpu.memory_space<hbm>>, %arg4: memref<16384x128xf32, #tpu.memory_space<hbm>>, %arg5: memref<512xi32, #tpu.memory_space<vmem>>, %arg6: memref<128x128xf32, #tpu.memory_space<vmem>>, %arg7: memref<128x128xf32, #tpu.memory_space<vmem>>, %arg8: memref<!tpu.dma_semaphore, #tpu.memory_space<semaphore_mem>>, %arg9: memref<!tpu.dma_semaphore, #tpu.memory_space<semaphore_mem>>) attributes {dimension_semantics = [#tpu.dimension_semantics<core_parallel>, #tpu.dimension_semantics<subcore_parallel>], iteration_bounds = array<i64: 2, 16>, scalar_prefetch = 0 : i64, scratch_operands = 5 : i64, tpu.core_type = #tpu.core_type<sc_vector_subcore>, window_params = [{transform_indices = #map}, {transform_indices = #map1}, {transform_indices = #map}]} {
    %mul3A = arith.constant 2 : i32
    %mul3A_0 = arith.muli %arg1, %mul3A : i32
    %add3A = arith.addi %mul3A_0, %arg0 : i32
    %mul3A_1 = arith.constant 512 : i32
    %mul3A_2 = arith.muli %add3A, %mul3A_1 : i32
    "tpu.region"() ({
      %run_scoped3A = tpu.sem_alloc : memref<!tpu.dma_semaphore, #tpu.memory_space<semaphore_mem>>
      %dma_start3A_49 = tpu.memref_slice %arg3[%mul3A_2] : memref<16384xi32, #tpu.memory_space<hbm>> -> memref<512xi32, #tpu.memory_space<hbm>>
      %dma_start3A_50 = tpu.memref_slice %arg3[%mul3A_2] : memref<16384xi32, #tpu.memory_space<hbm>> -> memref<512xi32, #tpu.memory_space<hbm>>
      tpu.enqueue_dma source(%dma_start3A_50 : memref<512xi32, #tpu.memory_space<hbm>>) target(%arg5 : memref<512xi32, #tpu.memory_space<vmem>>) target_semaphore(%run_scoped3A : memref<!tpu.dma_semaphore, #tpu.memory_space<semaphore_mem>>)
      %dma_wait3A_51 = tpu.memref_slice %arg3[%mul3A_2] : memref<16384xi32, #tpu.memory_space<hbm>> -> memref<512xi32, #tpu.memory_space<hbm>>
      %dma_wait3A_52 = tpu.memref_slice %arg3[%mul3A_2] : memref<16384xi32, #tpu.memory_space<hbm>> -> memref<512xi32, #tpu.memory_space<hbm>>
      tpu.wait_dma2 semaphore(%run_scoped3A : memref<!tpu.dma_semaphore, #tpu.memory_space<semaphore_mem>>) src(%dma_wait3A_52 : memref<512xi32, #tpu.memory_space<hbm>>) dst(%arg5 : memref<512xi32, #tpu.memory_space<vmem>>)
      tpu.yield
    }) : () -> ()
    %dma_start3A = arith.constant 0 : i32
    %dma_start3A_3 = tpu.memref_slice %arg5[%dma_start3A] : memref<512xi32, #tpu.memory_space<vmem>> -> memref<128xi32, #tpu.memory_space<vmem>>
    %dma_start3A_4 = arith.constant 0 : i32
    %dma_start3A_5 = arith.constant 0 : i32
    %dma_start3A_6 = tpu.memref_slice %arg2[%dma_start3A_4, %dma_start3A_5] : memref<51200x128xf32, #tpu.memory_space<hbm>> -> memref<51200x128xf32, #tpu.memory_space<hbm>>
    tpu.enqueue_indirect_dma source(%dma_start3A_6 : memref<51200x128xf32, #tpu.memory_space<hbm>>) target(%arg6 : memref<128x128xf32, #tpu.memory_space<vmem>>) offsets(%dma_start3A_3 : memref<128xi32, #tpu.memory_space<vmem>>) semaphore(%arg8 : memref<!tpu.dma_semaphore, #tpu.memory_space<semaphore_mem>>)
    %dma_start3A_7 = arith.constant 128 : i32
    %dma_start3A_8 = tpu.memref_slice %arg5[%dma_start3A_7] : memref<512xi32, #tpu.memory_space<vmem>> -> memref<128xi32, #tpu.memory_space<vmem>>
    %dma_start3A_9 = arith.constant 0 : i32
    %dma_start3A_10 = arith.constant 0 : i32
    %dma_start3A_11 = tpu.memref_slice %arg2[%dma_start3A_9, %dma_start3A_10] : memref<51200x128xf32, #tpu.memory_space<hbm>> -> memref<51200x128xf32, #tpu.memory_space<hbm>>
    tpu.enqueue_indirect_dma source(%dma_start3A_11 : memref<51200x128xf32, #tpu.memory_space<hbm>>) target(%arg7 : memref<128x128xf32, #tpu.memory_space<vmem>>) offsets(%dma_start3A_8 : memref<128xi32, #tpu.memory_space<vmem>>) semaphore(%arg9 : memref<!tpu.dma_semaphore, #tpu.memory_space<semaphore_mem>>)
    %dma_wait3A = arith.constant 0 : i32
    %dma_wait3A_12 = tpu.memref_slice %arg5[%dma_wait3A] : memref<512xi32, #tpu.memory_space<vmem>> -> memref<128xi32, #tpu.memory_space<vmem>>
    %dma_wait3A_13 = arith.constant 0 : i32
    %dma_wait3A_14 = arith.constant 0 : i32
    %dma_wait3A_15 = tpu.memref_slice %arg2[%dma_wait3A_13, %dma_wait3A_14] : memref<51200x128xf32, #tpu.memory_space<hbm>> -> memref<51200x128xf32, #tpu.memory_space<hbm>>
    tpu.wait_indirect_dma semaphore(%arg8 : memref<!tpu.dma_semaphore, #tpu.memory_space<semaphore_mem>>) src(%dma_wait3A_15 : memref<51200x128xf32, #tpu.memory_space<hbm>>) dst(%arg6 : memref<128x128xf32, #tpu.memory_space<vmem>>)
    %add3A_16 = arith.constant 0 : i32
    %add3A_17 = arith.addi %mul3A_2, %add3A_16 : i32
    "tpu.region"() ({
      %run_scoped3A = tpu.sem_alloc : memref<!tpu.dma_semaphore, #tpu.memory_space<semaphore_mem>>
      %dma_start3A_49 = arith.constant 0 : i32
      %dma_start3A_50 = tpu.memref_slice %arg4[%add3A_17, %dma_start3A_49] : memref<16384x128xf32, #tpu.memory_space<hbm>> -> memref<128x128xf32, #tpu.memory_space<hbm>>
      %dma_start3A_51 = arith.constant 0 : i32
      %dma_start3A_52 = tpu.memref_slice %arg4[%add3A_17, %dma_start3A_51] : memref<16384x128xf32, #tpu.memory_space<hbm>> -> memref<128x128xf32, #tpu.memory_space<hbm>>
      tpu.enqueue_dma source(%arg6 : memref<128x128xf32, #tpu.memory_space<vmem>>) target(%dma_start3A_52 : memref<128x128xf32, #tpu.memory_space<hbm>>) target_semaphore(%run_scoped3A : memref<!tpu.dma_semaphore, #tpu.memory_space<semaphore_mem>>)
      %dma_wait3A_53 = arith.constant 0 : i32
      %dma_wait3A_54 = tpu.memref_slice %arg4[%add3A_17, %dma_wait3A_53] : memref<16384x128xf32, #tpu.memory_space<hbm>> -> memref<128x128xf32, #tpu.memory_space<hbm>>
      %dma_wait3A_55 = arith.constant 0 : i32
      %dma_wait3A_56 = tpu.memref_slice %arg4[%add3A_17, %dma_wait3A_55] : memref<16384x128xf32, #tpu.memory_space<hbm>> -> memref<128x128xf32, #tpu.memory_space<hbm>>
      tpu.wait_dma2 semaphore(%run_scoped3A : memref<!tpu.dma_semaphore, #tpu.memory_space<semaphore_mem>>) src(%arg6 : memref<128x128xf32, #tpu.memory_space<vmem>>) dst(%dma_wait3A_56 : memref<128x128xf32, #tpu.memory_space<hbm>>)
      tpu.yield
    }) : () -> ()
    %dma_start3A_18 = arith.constant 256 : i32
    %dma_start3A_19 = tpu.memref_slice %arg5[%dma_start3A_18] : memref<512xi32, #tpu.memory_space<vmem>> -> memref<128xi32, #tpu.memory_space<vmem>>
    %dma_start3A_20 = arith.constant 0 : i32
    %dma_start3A_21 = arith.constant 0 : i32
    %dma_start3A_22 = tpu.memref_slice %arg2[%dma_start3A_20, %dma_start3A_21] : memref<51200x128xf32, #tpu.memory_space<hbm>> -> memref<51200x128xf32, #tpu.memory_space<hbm>>
    tpu.enqueue_indirect_dma source(%dma_start3A_22 : memref<51200x128xf32, #tpu.memory_space<hbm>>) target(%arg6 : memref<128x128xf32, #tpu.memory_space<vmem>>) offsets(%dma_start3A_19 : memref<128xi32, #tpu.memory_space<vmem>>) semaphore(%arg8 : memref<!tpu.dma_semaphore, #tpu.memory_space<semaphore_mem>>)
    %dma_wait3A_23 = arith.constant 128 : i32
    %dma_wait3A_24 = tpu.memref_slice %arg5[%dma_wait3A_23] : memref<512xi32, #tpu.memory_space<vmem>> -> memref<128xi32, #tpu.memory_space<vmem>>
    %dma_wait3A_25 = arith.constant 0 : i32
    %dma_wait3A_26 = arith.constant 0 : i32
    %dma_wait3A_27 = tpu.memref_slice %arg2[%dma_wait3A_25, %dma_wait3A_26] : memref<51200x128xf32, #tpu.memory_space<hbm>> -> memref<51200x128xf32, #tpu.memory_space<hbm>>
    tpu.wait_indirect_dma semaphore(%arg9 : memref<!tpu.dma_semaphore, #tpu.memory_space<semaphore_mem>>) src(%dma_wait3A_27 : memref<51200x128xf32, #tpu.memory_space<hbm>>) dst(%arg7 : memref<128x128xf32, #tpu.memory_space<vmem>>)
    %add3A_28 = arith.constant 128 : i32
    %add3A_29 = arith.addi %mul3A_2, %add3A_28 : i32
    "tpu.region"() ({
      %run_scoped3A = tpu.sem_alloc : memref<!tpu.dma_semaphore, #tpu.memory_space<semaphore_mem>>
      %dma_start3A_49 = arith.constant 0 : i32
      %dma_start3A_50 = tpu.memref_slice %arg4[%add3A_29, %dma_start3A_49] : memref<16384x128xf32, #tpu.memory_space<hbm>> -> memref<128x128xf32, #tpu.memory_space<hbm>>
      %dma_start3A_51 = arith.constant 0 : i32
      %dma_start3A_52 = tpu.memref_slice %arg4[%add3A_29, %dma_start3A_51] : memref<16384x128xf32, #tpu.memory_space<hbm>> -> memref<128x128xf32, #tpu.memory_space<hbm>>
      tpu.enqueue_dma source(%arg7 : memref<128x128xf32, #tpu.memory_space<vmem>>) target(%dma_start3A_52 : memref<128x128xf32, #tpu.memory_space<hbm>>) target_semaphore(%run_scoped3A : memref<!tpu.dma_semaphore, #tpu.memory_space<semaphore_mem>>)
      %dma_wait3A_53 = arith.constant 0 : i32
      %dma_wait3A_54 = tpu.memref_slice %arg4[%add3A_29, %dma_wait3A_53] : memref<16384x128xf32, #tpu.memory_space<hbm>> -> memref<128x128xf32, #tpu.memory_space<hbm>>
      %dma_wait3A_55 = arith.constant 0 : i32
      %dma_wait3A_56 = tpu.memref_slice %arg4[%add3A_29, %dma_wait3A_55] : memref<16384x128xf32, #tpu.memory_space<hbm>> -> memref<128x128xf32, #tpu.memory_space<hbm>>
      tpu.wait_dma2 semaphore(%run_scoped3A : memref<!tpu.dma_semaphore, #tpu.memory_space<semaphore_mem>>) src(%arg7 : memref<128x128xf32, #tpu.memory_space<vmem>>) dst(%dma_wait3A_56 : memref<128x128xf32, #tpu.memory_space<hbm>>)
      tpu.yield
    }) : () -> ()
    %dma_start3A_30 = arith.constant 384 : i32
    %dma_start3A_31 = tpu.memref_slice %arg5[%dma_start3A_30] : memref<512xi32, #tpu.memory_space<vmem>> -> memref<128xi32, #tpu.memory_space<vmem>>
    %dma_start3A_32 = arith.constant 0 : i32
    %dma_start3A_33 = arith.constant 0 : i32
    %dma_start3A_34 = tpu.memref_slice %arg2[%dma_start3A_32, %dma_start3A_33] : memref<51200x128xf32, #tpu.memory_space<hbm>> -> memref<51200x128xf32, #tpu.memory_space<hbm>>
    tpu.enqueue_indirect_dma source(%dma_start3A_34 : memref<51200x128xf32, #tpu.memory_space<hbm>>) target(%arg7 : memref<128x128xf32, #tpu.memory_space<vmem>>) offsets(%dma_start3A_31 : memref<128xi32, #tpu.memory_space<vmem>>) semaphore(%arg9 : memref<!tpu.dma_semaphore, #tpu.memory_space<semaphore_mem>>)
    %dma_wait3A_35 = arith.constant 256 : i32
    %dma_wait3A_36 = tpu.memref_slice %arg5[%dma_wait3A_35] : memref<512xi32, #tpu.memory_space<vmem>> -> memref<128xi32, #tpu.memory_space<vmem>>
    %dma_wait3A_37 = arith.constant 0 : i32
    %dma_wait3A_38 = arith.constant 0 : i32
    %dma_wait3A_39 = tpu.memref_slice %arg2[%dma_wait3A_37, %dma_wait3A_38] : memref<51200x128xf32, #tpu.memory_space<hbm>> -> memref<51200x128xf32, #tpu.memory_space<hbm>>
    tpu.wait_indirect_dma semaphore(%arg8 : memref<!tpu.dma_semaphore, #tpu.memory_space<semaphore_mem>>) src(%dma_wait3A_39 : memref<51200x128xf32, #tpu.memory_space<hbm>>) dst(%arg6 : memref<128x128xf32, #tpu.memory_space<vmem>>)
    %add3A_40 = arith.constant 256 : i32
    %add3A_41 = arith.addi %mul3A_2, %add3A_40 : i32
    "tpu.region"() ({
      %run_scoped3A = tpu.sem_alloc : memref<!tpu.dma_semaphore, #tpu.memory_space<semaphore_mem>>
      %dma_start3A_49 = arith.constant 0 : i32
      %dma_start3A_50 = tpu.memref_slice %arg4[%add3A_41, %dma_start3A_49] : memref<16384x128xf32, #tpu.memory_space<hbm>> -> memref<128x128xf32, #tpu.memory_space<hbm>>
      %dma_start3A_51 = arith.constant 0 : i32
      %dma_start3A_52 = tpu.memref_slice %arg4[%add3A_41, %dma_start3A_51] : memref<16384x128xf32, #tpu.memory_space<hbm>> -> memref<128x128xf32, #tpu.memory_space<hbm>>
      tpu.enqueue_dma source(%arg6 : memref<128x128xf32, #tpu.memory_space<vmem>>) target(%dma_start3A_52 : memref<128x128xf32, #tpu.memory_space<hbm>>) target_semaphore(%run_scoped3A : memref<!tpu.dma_semaphore, #tpu.memory_space<semaphore_mem>>)
      %dma_wait3A_53 = arith.constant 0 : i32
      %dma_wait3A_54 = tpu.memref_slice %arg4[%add3A_41, %dma_wait3A_53] : memref<16384x128xf32, #tpu.memory_space<hbm>> -> memref<128x128xf32, #tpu.memory_space<hbm>>
      %dma_wait3A_55 = arith.constant 0 : i32
      %dma_wait3A_56 = tpu.memref_slice %arg4[%add3A_41, %dma_wait3A_55] : memref<16384x128xf32, #tpu.memory_space<hbm>> -> memref<128x128xf32, #tpu.memory_space<hbm>>
      tpu.wait_dma2 semaphore(%run_scoped3A : memref<!tpu.dma_semaphore, #tpu.memory_space<semaphore_mem>>) src(%arg6 : memref<128x128xf32, #tpu.memory_space<vmem>>) dst(%dma_wait3A_56 : memref<128x128xf32, #tpu.memory_space<hbm>>)
      tpu.yield
    }) : () -> ()
    %dma_wait3A_42 = arith.constant 384 : i32
    %dma_wait3A_43 = tpu.memref_slice %arg5[%dma_wait3A_42] : memref<512xi32, #tpu.memory_space<vmem>> -> memref<128xi32, #tpu.memory_space<vmem>>
    %dma_wait3A_44 = arith.constant 0 : i32
    %dma_wait3A_45 = arith.constant 0 : i32
    %dma_wait3A_46 = tpu.memref_slice %arg2[%dma_wait3A_44, %dma_wait3A_45] : memref<51200x128xf32, #tpu.memory_space<hbm>> -> memref<51200x128xf32, #tpu.memory_space<hbm>>
    tpu.wait_indirect_dma semaphore(%arg9 : memref<!tpu.dma_semaphore, #tpu.memory_space<semaphore_mem>>) src(%dma_wait3A_46 : memref<51200x128xf32, #tpu.memory_space<hbm>>) dst(%arg7 : memref<128x128xf32, #tpu.memory_space<vmem>>)
    %add3A_47 = arith.constant 384 : i32
    %add3A_48 = arith.addi %mul3A_2, %add3A_47 : i32
    "tpu.region"() ({
      %run_scoped3A = tpu.sem_alloc : memref<!tpu.dma_semaphore, #tpu.memory_space<semaphore_mem>>
      %dma_start3A_49 = arith.constant 0 : i32
      %dma_start3A_50 = tpu.memref_slice %arg4[%add3A_48, %dma_start3A_49] : memref<16384x128xf32, #tpu.memory_space<hbm>> -> memref<128x128xf32, #tpu.memory_space<hbm>>
      %dma_start3A_51 = arith.constant 0 : i32
      %dma_start3A_52 = tpu.memref_slice %arg4[%add3A_48, %dma_start3A_51] : memref<16384x128xf32, #tpu.memory_space<hbm>> -> memref<128x128xf32, #tpu.memory_space<hbm>>
      tpu.enqueue_dma source(%arg7 : memref<128x128xf32, #tpu.memory_space<vmem>>) target(%dma_start3A_52 : memref<128x128xf32, #tpu.memory_space<hbm>>) target_semaphore(%run_scoped3A : memref<!tpu.dma_semaphore, #tpu.memory_space<semaphore_mem>>)
      %dma_wait3A_53 = arith.constant 0 : i32
      %dma_wait3A_54 = tpu.memref_slice %arg4[%add3A_48, %dma_wait3A_53] : memref<16384x128xf32, #tpu.memory_space<hbm>> -> memref<128x128xf32, #tpu.memory_space<hbm>>
      %dma_wait3A_55 = arith.constant 0 : i32
      %dma_wait3A_56 = tpu.memref_slice %arg4[%add3A_48, %dma_wait3A_55] : memref<16384x128xf32, #tpu.memory_space<hbm>> -> memref<128x128xf32, #tpu.memory_space<hbm>>
      tpu.wait_dma2 semaphore(%run_scoped3A : memref<!tpu.dma_semaphore, #tpu.memory_space<semaphore_mem>>) src(%arg7 : memref<128x128xf32, #tpu.memory_space<vmem>>) dst(%dma_wait3A_56 : memref<128x128xf32, #tpu.memory_space<hbm>>)
      tpu.yield
    }) : () -> ()
    return
  }
}

#map = affine_map<(d0, d1) -> (0, 0)>
#map1 = affine_map<(d0, d1) -> (0)>
module attributes {stable_mosaic.version = 14 : i64} {
  func.func @gather1(%arg0: i32, %arg1: i32, %arg2: memref<100000x128xf32, #tpu.memory_space<hbm>>, %arg3: memref<16384xi32, #tpu.memory_space<hbm>>, %arg4: memref<16384x128xf32, #tpu.memory_space<hbm>>, %arg5: memref<512xi32, #tpu.memory_space<vmem>>, %arg6: memref<128x128xf32, #tpu.memory_space<vmem>>, %arg7: memref<128x128xf32, #tpu.memory_space<vmem>>, %arg8: memref<!tpu.dma_semaphore, #tpu.memory_space<semaphore_mem>>, %arg9: memref<!tpu.dma_semaphore, #tpu.memory_space<semaphore_mem>>) attributes {dimension_semantics = [#tpu.dimension_semantics<core_parallel>, #tpu.dimension_semantics<subcore_parallel>], iteration_bounds = array<i64: 2, 16>, scalar_prefetch = 0 : i64, scratch_operands = 5 : i64, tpu.core_type = #tpu.core_type<sc_vector_subcore>, window_params = [{transform_indices = #map}, {transform_indices = #map1}, {transform_indices = #map}]} {
    %mul3A = arith.constant 2 : i32
    %mul3A_0 = arith.muli %arg1, %mul3A : i32
    %add3A = arith.addi %mul3A_0, %arg0 : i32
    %mul3A_1 = arith.constant 512 : i32
    %mul3A_2 = arith.muli %add3A, %mul3A_1 : i32
    "tpu.region"() ({
      %run_scoped3A = tpu.sem_alloc : memref<!tpu.dma_semaphore, #tpu.memory_space<semaphore_mem>>
      %dma_start3A_49 = tpu.memref_slice %arg3[%mul3A_2] : memref<16384xi32, #tpu.memory_space<hbm>> -> memref<512xi32, #tpu.memory_space<hbm>>
      %dma_start3A_50 = tpu.memref_slice %arg3[%mul3A_2] : memref<16384xi32, #tpu.memory_space<hbm>> -> memref<512xi32, #tpu.memory_space<hbm>>
      tpu.enqueue_dma source(%dma_start3A_50 : memref<512xi32, #tpu.memory_space<hbm>>) target(%arg5 : memref<512xi32, #tpu.memory_space<vmem>>) target_semaphore(%run_scoped3A : memref<!tpu.dma_semaphore, #tpu.memory_space<semaphore_mem>>)
      %dma_wait3A_51 = tpu.memref_slice %arg3[%mul3A_2] : memref<16384xi32, #tpu.memory_space<hbm>> -> memref<512xi32, #tpu.memory_space<hbm>>
      %dma_wait3A_52 = tpu.memref_slice %arg3[%mul3A_2] : memref<16384xi32, #tpu.memory_space<hbm>> -> memref<512xi32, #tpu.memory_space<hbm>>
      tpu.wait_dma2 semaphore(%run_scoped3A : memref<!tpu.dma_semaphore, #tpu.memory_space<semaphore_mem>>) src(%dma_wait3A_52 : memref<512xi32, #tpu.memory_space<hbm>>) dst(%arg5 : memref<512xi32, #tpu.memory_space<vmem>>)
      tpu.yield
    }) : () -> ()
    %dma_start3A = arith.constant 0 : i32
    %dma_start3A_3 = tpu.memref_slice %arg5[%dma_start3A] : memref<512xi32, #tpu.memory_space<vmem>> -> memref<128xi32, #tpu.memory_space<vmem>>
    %dma_start3A_4 = arith.constant 0 : i32
    %dma_start3A_5 = arith.constant 0 : i32
    %dma_start3A_6 = tpu.memref_slice %arg2[%dma_start3A_4, %dma_start3A_5] : memref<100000x128xf32, #tpu.memory_space<hbm>> -> memref<100000x128xf32, #tpu.memory_space<hbm>>
    tpu.enqueue_indirect_dma source(%dma_start3A_6 : memref<100000x128xf32, #tpu.memory_space<hbm>>) target(%arg6 : memref<128x128xf32, #tpu.memory_space<vmem>>) offsets(%dma_start3A_3 : memref<128xi32, #tpu.memory_space<vmem>>) semaphore(%arg8 : memref<!tpu.dma_semaphore, #tpu.memory_space<semaphore_mem>>)
    %dma_start3A_7 = arith.constant 128 : i32
    %dma_start3A_8 = tpu.memref_slice %arg5[%dma_start3A_7] : memref<512xi32, #tpu.memory_space<vmem>> -> memref<128xi32, #tpu.memory_space<vmem>>
    %dma_start3A_9 = arith.constant 0 : i32
    %dma_start3A_10 = arith.constant 0 : i32
    %dma_start3A_11 = tpu.memref_slice %arg2[%dma_start3A_9, %dma_start3A_10] : memref<100000x128xf32, #tpu.memory_space<hbm>> -> memref<100000x128xf32, #tpu.memory_space<hbm>>
    tpu.enqueue_indirect_dma source(%dma_start3A_11 : memref<100000x128xf32, #tpu.memory_space<hbm>>) target(%arg7 : memref<128x128xf32, #tpu.memory_space<vmem>>) offsets(%dma_start3A_8 : memref<128xi32, #tpu.memory_space<vmem>>) semaphore(%arg9 : memref<!tpu.dma_semaphore, #tpu.memory_space<semaphore_mem>>)
    %dma_wait3A = arith.constant 0 : i32
    %dma_wait3A_12 = tpu.memref_slice %arg5[%dma_wait3A] : memref<512xi32, #tpu.memory_space<vmem>> -> memref<128xi32, #tpu.memory_space<vmem>>
    %dma_wait3A_13 = arith.constant 0 : i32
    %dma_wait3A_14 = arith.constant 0 : i32
    %dma_wait3A_15 = tpu.memref_slice %arg2[%dma_wait3A_13, %dma_wait3A_14] : memref<100000x128xf32, #tpu.memory_space<hbm>> -> memref<100000x128xf32, #tpu.memory_space<hbm>>
    tpu.wait_indirect_dma semaphore(%arg8 : memref<!tpu.dma_semaphore, #tpu.memory_space<semaphore_mem>>) src(%dma_wait3A_15 : memref<100000x128xf32, #tpu.memory_space<hbm>>) dst(%arg6 : memref<128x128xf32, #tpu.memory_space<vmem>>)
    %add3A_16 = arith.constant 0 : i32
    %add3A_17 = arith.addi %mul3A_2, %add3A_16 : i32
    "tpu.region"() ({
      %run_scoped3A = tpu.sem_alloc : memref<!tpu.dma_semaphore, #tpu.memory_space<semaphore_mem>>
      %dma_start3A_49 = arith.constant 0 : i32
      %dma_start3A_50 = tpu.memref_slice %arg4[%add3A_17, %dma_start3A_49] : memref<16384x128xf32, #tpu.memory_space<hbm>> -> memref<128x128xf32, #tpu.memory_space<hbm>>
      %dma_start3A_51 = arith.constant 0 : i32
      %dma_start3A_52 = tpu.memref_slice %arg4[%add3A_17, %dma_start3A_51] : memref<16384x128xf32, #tpu.memory_space<hbm>> -> memref<128x128xf32, #tpu.memory_space<hbm>>
      tpu.enqueue_dma source(%arg6 : memref<128x128xf32, #tpu.memory_space<vmem>>) target(%dma_start3A_52 : memref<128x128xf32, #tpu.memory_space<hbm>>) target_semaphore(%run_scoped3A : memref<!tpu.dma_semaphore, #tpu.memory_space<semaphore_mem>>)
      %dma_wait3A_53 = arith.constant 0 : i32
      %dma_wait3A_54 = tpu.memref_slice %arg4[%add3A_17, %dma_wait3A_53] : memref<16384x128xf32, #tpu.memory_space<hbm>> -> memref<128x128xf32, #tpu.memory_space<hbm>>
      %dma_wait3A_55 = arith.constant 0 : i32
      %dma_wait3A_56 = tpu.memref_slice %arg4[%add3A_17, %dma_wait3A_55] : memref<16384x128xf32, #tpu.memory_space<hbm>> -> memref<128x128xf32, #tpu.memory_space<hbm>>
      tpu.wait_dma2 semaphore(%run_scoped3A : memref<!tpu.dma_semaphore, #tpu.memory_space<semaphore_mem>>) src(%arg6 : memref<128x128xf32, #tpu.memory_space<vmem>>) dst(%dma_wait3A_56 : memref<128x128xf32, #tpu.memory_space<hbm>>)
      tpu.yield
    }) : () -> ()
    %dma_start3A_18 = arith.constant 256 : i32
    %dma_start3A_19 = tpu.memref_slice %arg5[%dma_start3A_18] : memref<512xi32, #tpu.memory_space<vmem>> -> memref<128xi32, #tpu.memory_space<vmem>>
    %dma_start3A_20 = arith.constant 0 : i32
    %dma_start3A_21 = arith.constant 0 : i32
    %dma_start3A_22 = tpu.memref_slice %arg2[%dma_start3A_20, %dma_start3A_21] : memref<100000x128xf32, #tpu.memory_space<hbm>> -> memref<100000x128xf32, #tpu.memory_space<hbm>>
    tpu.enqueue_indirect_dma source(%dma_start3A_22 : memref<100000x128xf32, #tpu.memory_space<hbm>>) target(%arg6 : memref<128x128xf32, #tpu.memory_space<vmem>>) offsets(%dma_start3A_19 : memref<128xi32, #tpu.memory_space<vmem>>) semaphore(%arg8 : memref<!tpu.dma_semaphore, #tpu.memory_space<semaphore_mem>>)
    %dma_wait3A_23 = arith.constant 128 : i32
    %dma_wait3A_24 = tpu.memref_slice %arg5[%dma_wait3A_23] : memref<512xi32, #tpu.memory_space<vmem>> -> memref<128xi32, #tpu.memory_space<vmem>>
    %dma_wait3A_25 = arith.constant 0 : i32
    %dma_wait3A_26 = arith.constant 0 : i32
    %dma_wait3A_27 = tpu.memref_slice %arg2[%dma_wait3A_25, %dma_wait3A_26] : memref<100000x128xf32, #tpu.memory_space<hbm>> -> memref<100000x128xf32, #tpu.memory_space<hbm>>
    tpu.wait_indirect_dma semaphore(%arg9 : memref<!tpu.dma_semaphore, #tpu.memory_space<semaphore_mem>>) src(%dma_wait3A_27 : memref<100000x128xf32, #tpu.memory_space<hbm>>) dst(%arg7 : memref<128x128xf32, #tpu.memory_space<vmem>>)
    %add3A_28 = arith.constant 128 : i32
    %add3A_29 = arith.addi %mul3A_2, %add3A_28 : i32
    "tpu.region"() ({
      %run_scoped3A = tpu.sem_alloc : memref<!tpu.dma_semaphore, #tpu.memory_space<semaphore_mem>>
      %dma_start3A_49 = arith.constant 0 : i32
      %dma_start3A_50 = tpu.memref_slice %arg4[%add3A_29, %dma_start3A_49] : memref<16384x128xf32, #tpu.memory_space<hbm>> -> memref<128x128xf32, #tpu.memory_space<hbm>>
      %dma_start3A_51 = arith.constant 0 : i32
      %dma_start3A_52 = tpu.memref_slice %arg4[%add3A_29, %dma_start3A_51] : memref<16384x128xf32, #tpu.memory_space<hbm>> -> memref<128x128xf32, #tpu.memory_space<hbm>>
      tpu.enqueue_dma source(%arg7 : memref<128x128xf32, #tpu.memory_space<vmem>>) target(%dma_start3A_52 : memref<128x128xf32, #tpu.memory_space<hbm>>) target_semaphore(%run_scoped3A : memref<!tpu.dma_semaphore, #tpu.memory_space<semaphore_mem>>)
      %dma_wait3A_53 = arith.constant 0 : i32
      %dma_wait3A_54 = tpu.memref_slice %arg4[%add3A_29, %dma_wait3A_53] : memref<16384x128xf32, #tpu.memory_space<hbm>> -> memref<128x128xf32, #tpu.memory_space<hbm>>
      %dma_wait3A_55 = arith.constant 0 : i32
      %dma_wait3A_56 = tpu.memref_slice %arg4[%add3A_29, %dma_wait3A_55] : memref<16384x128xf32, #tpu.memory_space<hbm>> -> memref<128x128xf32, #tpu.memory_space<hbm>>
      tpu.wait_dma2 semaphore(%run_scoped3A : memref<!tpu.dma_semaphore, #tpu.memory_space<semaphore_mem>>) src(%arg7 : memref<128x128xf32, #tpu.memory_space<vmem>>) dst(%dma_wait3A_56 : memref<128x128xf32, #tpu.memory_space<hbm>>)
      tpu.yield
    }) : () -> ()
    %dma_start3A_30 = arith.constant 384 : i32
    %dma_start3A_31 = tpu.memref_slice %arg5[%dma_start3A_30] : memref<512xi32, #tpu.memory_space<vmem>> -> memref<128xi32, #tpu.memory_space<vmem>>
    %dma_start3A_32 = arith.constant 0 : i32
    %dma_start3A_33 = arith.constant 0 : i32
    %dma_start3A_34 = tpu.memref_slice %arg2[%dma_start3A_32, %dma_start3A_33] : memref<100000x128xf32, #tpu.memory_space<hbm>> -> memref<100000x128xf32, #tpu.memory_space<hbm>>
    tpu.enqueue_indirect_dma source(%dma_start3A_34 : memref<100000x128xf32, #tpu.memory_space<hbm>>) target(%arg7 : memref<128x128xf32, #tpu.memory_space<vmem>>) offsets(%dma_start3A_31 : memref<128xi32, #tpu.memory_space<vmem>>) semaphore(%arg9 : memref<!tpu.dma_semaphore, #tpu.memory_space<semaphore_mem>>)
    %dma_wait3A_35 = arith.constant 256 : i32
    %dma_wait3A_36 = tpu.memref_slice %arg5[%dma_wait3A_35] : memref<512xi32, #tpu.memory_space<vmem>> -> memref<128xi32, #tpu.memory_space<vmem>>
    %dma_wait3A_37 = arith.constant 0 : i32
    %dma_wait3A_38 = arith.constant 0 : i32
    %dma_wait3A_39 = tpu.memref_slice %arg2[%dma_wait3A_37, %dma_wait3A_38] : memref<100000x128xf32, #tpu.memory_space<hbm>> -> memref<100000x128xf32, #tpu.memory_space<hbm>>
    tpu.wait_indirect_dma semaphore(%arg8 : memref<!tpu.dma_semaphore, #tpu.memory_space<semaphore_mem>>) src(%dma_wait3A_39 : memref<100000x128xf32, #tpu.memory_space<hbm>>) dst(%arg6 : memref<128x128xf32, #tpu.memory_space<vmem>>)
    %add3A_40 = arith.constant 256 : i32
    %add3A_41 = arith.addi %mul3A_2, %add3A_40 : i32
    "tpu.region"() ({
      %run_scoped3A = tpu.sem_alloc : memref<!tpu.dma_semaphore, #tpu.memory_space<semaphore_mem>>
      %dma_start3A_49 = arith.constant 0 : i32
      %dma_start3A_50 = tpu.memref_slice %arg4[%add3A_41, %dma_start3A_49] : memref<16384x128xf32, #tpu.memory_space<hbm>> -> memref<128x128xf32, #tpu.memory_space<hbm>>
      %dma_start3A_51 = arith.constant 0 : i32
      %dma_start3A_52 = tpu.memref_slice %arg4[%add3A_41, %dma_start3A_51] : memref<16384x128xf32, #tpu.memory_space<hbm>> -> memref<128x128xf32, #tpu.memory_space<hbm>>
      tpu.enqueue_dma source(%arg6 : memref<128x128xf32, #tpu.memory_space<vmem>>) target(%dma_start3A_52 : memref<128x128xf32, #tpu.memory_space<hbm>>) target_semaphore(%run_scoped3A : memref<!tpu.dma_semaphore, #tpu.memory_space<semaphore_mem>>)
      %dma_wait3A_53 = arith.constant 0 : i32
      %dma_wait3A_54 = tpu.memref_slice %arg4[%add3A_41, %dma_wait3A_53] : memref<16384x128xf32, #tpu.memory_space<hbm>> -> memref<128x128xf32, #tpu.memory_space<hbm>>
      %dma_wait3A_55 = arith.constant 0 : i32
      %dma_wait3A_56 = tpu.memref_slice %arg4[%add3A_41, %dma_wait3A_55] : memref<16384x128xf32, #tpu.memory_space<hbm>> -> memref<128x128xf32, #tpu.memory_space<hbm>>
      tpu.wait_dma2 semaphore(%run_scoped3A : memref<!tpu.dma_semaphore, #tpu.memory_space<semaphore_mem>>) src(%arg6 : memref<128x128xf32, #tpu.memory_space<vmem>>) dst(%dma_wait3A_56 : memref<128x128xf32, #tpu.memory_space<hbm>>)
      tpu.yield
    }) : () -> ()
    %dma_wait3A_42 = arith.constant 384 : i32
    %dma_wait3A_43 = tpu.memref_slice %arg5[%dma_wait3A_42] : memref<512xi32, #tpu.memory_space<vmem>> -> memref<128xi32, #tpu.memory_space<vmem>>
    %dma_wait3A_44 = arith.constant 0 : i32
    %dma_wait3A_45 = arith.constant 0 : i32
    %dma_wait3A_46 = tpu.memref_slice %arg2[%dma_wait3A_44, %dma_wait3A_45] : memref<100000x128xf32, #tpu.memory_space<hbm>> -> memref<100000x128xf32, #tpu.memory_space<hbm>>
    tpu.wait_indirect_dma semaphore(%arg9 : memref<!tpu.dma_semaphore, #tpu.memory_space<semaphore_mem>>) src(%dma_wait3A_46 : memref<100000x128xf32, #tpu.memory_space<hbm>>) dst(%arg7 : memref<128x128xf32, #tpu.memory_space<vmem>>)
    %add3A_47 = arith.constant 384 : i32
    %add3A_48 = arith.addi %mul3A_2, %add3A_47 : i32
    "tpu.region"() ({
      %run_scoped3A = tpu.sem_alloc : memref<!tpu.dma_semaphore, #tpu.memory_space<semaphore_mem>>
      %dma_start3A_49 = arith.constant 0 : i32
      %dma_start3A_50 = tpu.memref_slice %arg4[%add3A_48, %dma_start3A_49] : memref<16384x128xf32, #tpu.memory_space<hbm>> -> memref<128x128xf32, #tpu.memory_space<hbm>>
      %dma_start3A_51 = arith.constant 0 : i32
      %dma_start3A_52 = tpu.memref_slice %arg4[%add3A_48, %dma_start3A_51] : memref<16384x128xf32, #tpu.memory_space<hbm>> -> memref<128x128xf32, #tpu.memory_space<hbm>>
      tpu.enqueue_dma source(%arg7 : memref<128x128xf32, #tpu.memory_space<vmem>>) target(%dma_start3A_52 : memref<128x128xf32, #tpu.memory_space<hbm>>) target_semaphore(%run_scoped3A : memref<!tpu.dma_semaphore, #tpu.memory_space<semaphore_mem>>)
      %dma_wait3A_53 = arith.constant 0 : i32
      %dma_wait3A_54 = tpu.memref_slice %arg4[%add3A_48, %dma_wait3A_53] : memref<16384x128xf32, #tpu.memory_space<hbm>> -> memref<128x128xf32, #tpu.memory_space<hbm>>
      %dma_wait3A_55 = arith.constant 0 : i32
      %dma_wait3A_56 = tpu.memref_slice %arg4[%add3A_48, %dma_wait3A_55] : memref<16384x128xf32, #tpu.memory_space<hbm>> -> memref<128x128xf32, #tpu.memory_space<hbm>>
      tpu.wait_dma2 semaphore(%run_scoped3A : memref<!tpu.dma_semaphore, #tpu.memory_space<semaphore_mem>>) src(%arg7 : memref<128x128xf32, #tpu.memory_space<vmem>>) dst(%dma_wait3A_56 : memref<128x128xf32, #tpu.memory_space<hbm>>)
      tpu.yield
    }) : () -> ()
    return
  }
}

module attributes {stable_mosaic.version = 14 : i64} {
  func.func @body(%arg0: i32, %arg1: memref<64x2048xf32, #tpu.memory_space<vmem>>, %arg2: memref<64x2048xf32, #tpu.memory_space<vmem>>, %arg3: memref<2048x128xf32, #tpu.memory_space<vmem>>) attributes {dimension_semantics = [#tpu.dimension_semantics<arbitrary>], iteration_bounds = array<i64: 25>, scalar_prefetch = 0 : i64, scratch_operands = 0 : i64, tpu.core_type = #tpu.core_type<tc>, window_params = [{transform_indices = @transform_0, window_bounds = array<i64: 64, 2048>}, {transform_indices = @transform_1, window_bounds = array<i64: 64, 2048>}, {transform_indices = @transform_2, window_bounds = array<i64: 2048, 128>}]} {
    %add3A = arith.constant 25 : i32
    %add3A_0 = arith.addi %add3A, %arg0 : i32
    %min3A = arith.constant 48 : i32
    %min3A_1 = arith.minsi %add3A_0, %min3A : i32
    %mul3A = arith.constant 2048 : i32
    %mul3A_2 = arith.muli %min3A_1, %mul3A : i32
    %iota3A = tpu.iota {dimensions = array<i32: 1>} : vector<64x2048xi32>
    %add3A_3 = vector.broadcast %mul3A_2 : i32 to vector<64x2048xi32>
    %add3A_4 = arith.addi %add3A_3, %iota3A : vector<64x2048xi32>
    %lt3A = arith.constant 100000 : i32
    %lt3A_5 = vector.broadcast %lt3A : i32 to vector<64x2048xi32>
    %lt3A_6 = arith.cmpi slt, %add3A_4, %lt3A_5 : vector<64x2048xi32>
    %get3A = arith.constant 0 : index
    %get3A_7 = arith.constant 0 : index
    %get3A_8 = vector.load %arg2[%get3A, %get3A_7] : memref<64x2048xf32, #tpu.memory_space<vmem>>, vector<64x2048xf32>
    %jit3A = arith.constant 0.000000e+00 : f32
    %broadcast_in_dim3A = vector.broadcast %jit3A : f32 to vector<64x2048xf32>
    %select_n3A = arith.select %lt3A_6, %get3A_8, %broadcast_in_dim3A : vector<64x2048xi1>, vector<64x2048xf32>
    %get3A_9 = arith.constant 0 : index
    %get3A_10 = arith.constant 0 : index
    %get3A_11 = vector.load %arg1[%get3A_9, %get3A_10] : memref<64x2048xf32, #tpu.memory_space<vmem>>, vector<64x2048xf32>
    %concatenate3A = tpu.concatenate %get3A_11, %select_n3A in 0 : vector<64x2048xf32>, vector<64x2048xf32> -> vector<128x2048xf32>
    %iota3A_12 = tpu.iota {dimensions = array<i32: 0>} : vector<128x128xi32>
    %iota3A_13 = tpu.iota {dimensions = array<i32: 1>} : vector<128x128xi32>
    %eq3A = arith.cmpi eq, %iota3A_12, %iota3A_13 : vector<128x128xi32>
    %convert_element_type3A = arith.extui %eq3A : vector<128x128xi1> to vector<128x128xi32>
    %convert_element_type3A_14 = arith.sitofp %convert_element_type3A : vector<128x128xi32> to vector<128x128xf32>
    %dot_general3A = arith.constant dense<0.000000e+00> : vector<2048x128xf32>
    %dot_general3A_15 = tpu.matmul %concatenate3A, %convert_element_type3A_14, %dot_general3A {dimension_numbers = #tpu.dot_dimension_numbers<[0], [0], [1], [1], [0, 1, 1, 1], [], []>, transpose_lhs_hint = false} : vector<128x2048xf32>, vector<128x128xf32>, vector<2048x128xf32> -> vector<2048x128xf32>
    %swap3A = arith.constant 0 : index
    %swap3A_16 = arith.constant 0 : index
    %swap3A_17 = vector.load %arg3[%swap3A, %swap3A_16] : memref<2048x128xf32, #tpu.memory_space<vmem>>, vector<2048x128xf32>
    tpu.vector_store %arg3[%swap3A, %swap3A_16], %dot_general3A_15 {strides = array<i32>} : memref<2048x128xf32, #tpu.memory_space<vmem>>, vector<2048x128xf32>,
    return
  }
  func.func @transform_0(%arg0: i32) -> (i32, i32) {
    %c0_i32 = arith.constant 0 : i32
    %c0_i32_0 = arith.constant 0 : i32
    return %c0_i32, %arg0 : i32, i32
  }
  func.func @transform_1(%arg0: i32) -> (i32, i32) {
    %add3A = arith.constant 25 : i32
    %add3A_0 = arith.addi %add3A, %arg0 : i32
    %min3A = arith.constant 48 : i32
    %min3A_1 = arith.minsi %add3A_0, %min3A : i32
    %c0_i32 = arith.constant 0 : i32
    %c0_i32_2 = arith.constant 0 : i32
    return %c0_i32, %min3A_1 : i32, i32
  }
  func.func @transform_2(%arg0: i32) -> (i32, i32) {
    %c0_i32 = arith.constant 0 : i32
    %c0_i32_0 = arith.constant 0 : i32
    return %arg0, %c0_i32 : i32, i32
  }
}

module attributes {stable_mosaic.version = 14 : i64} {
  func.func @_widen_prod_body(%arg0: i32, %arg1: memref<64x2048xf32, #tpu.memory_space<vmem>>, %arg2: memref<64x2048xf32, #tpu.memory_space<vmem>>, %arg3: memref<2048x128xf32, #tpu.memory_space<vmem>>) attributes {dimension_semantics = [#tpu.dimension_semantics<arbitrary>], iteration_bounds = array<i64: 49>, scalar_prefetch = 0 : i64, scratch_operands = 0 : i64, tpu.core_type = #tpu.core_type<tc>, window_params = [{transform_indices = @transform_0, window_bounds = array<i64: 64, 2048>}, {transform_indices = @transform_1, window_bounds = array<i64: 64, 2048>}, {transform_indices = @transform_2, window_bounds = array<i64: 2048, 128>}]} {
    %get3A = arith.constant 0 : index
    %get3A_0 = arith.constant 0 : index
    %get3A_1 = vector.load %arg1[%get3A, %get3A_0] : memref<64x2048xf32, #tpu.memory_space<vmem>>, vector<64x2048xf32>
    %get3A_2 = arith.constant 0 : index
    %get3A_3 = arith.constant 0 : index
    %get3A_4 = vector.load %arg2[%get3A_2, %get3A_3] : memref<64x2048xf32, #tpu.memory_space<vmem>>, vector<64x2048xf32>
    %concatenate3A = tpu.concatenate %get3A_1, %get3A_4 in 0 : vector<64x2048xf32>, vector<64x2048xf32> -> vector<128x2048xf32>
    %iota3A = tpu.iota {dimensions = array<i32: 0>} : vector<128x128xi32>
    %iota3A_5 = tpu.iota {dimensions = array<i32: 1>} : vector<128x128xi32>
    %eq3A = arith.cmpi eq, %iota3A, %iota3A_5 : vector<128x128xi32>
    %convert_element_type3A = arith.extui %eq3A : vector<128x128xi1> to vector<128x128xi32>
    %convert_element_type3A_6 = arith.sitofp %convert_element_type3A : vector<128x128xi32> to vector<128x128xf32>
    %dot_general3A = arith.constant dense<0.000000e+00> : vector<2048x128xf32>
    %dot_general3A_7 = tpu.matmul %concatenate3A, %convert_element_type3A_6, %dot_general3A {dimension_numbers = #tpu.dot_dimension_numbers<[0], [0], [1], [1], [0, 1, 1, 1], [], []>, transpose_lhs_hint = false} : vector<128x2048xf32>, vector<128x128xf32>, vector<2048x128xf32> -> vector<2048x128xf32>
    %swap3A = arith.constant 0 : index
    %swap3A_8 = arith.constant 0 : index
    %swap3A_9 = vector.load %arg3[%swap3A, %swap3A_8] : memref<2048x128xf32, #tpu.memory_space<vmem>>, vector<2048x128xf32>
    tpu.vector_store %arg3[%swap3A, %swap3A_8], %dot_general3A_7 {strides = array<i32>} : memref<2048x128xf32, #tpu.memory_space<vmem>>, vector<2048x128xf32>,
    return
  }
  func.func @transform_0(%arg0: i32) -> (i32, i32) {
    %c0_i32 = arith.constant 0 : i32
    %c0_i32_0 = arith.constant 0 : i32
    return %c0_i32, %arg0 : i32, i32
  }
  func.func @transform_1(%arg0: i32) -> (i32, i32) {
    %c0_i32 = arith.constant 0 : i32
    %c0_i32_0 = arith.constant 0 : i32
    return %c0_i32, %arg0 : i32, i32
  }
  func.func @transform_2(%arg0: i32) -> (i32, i32) {
    %c0_i32 = arith.constant 0 : i32
    %c0_i32_0 = arith.constant 0 : i32
    return %arg0, %c0_i32 : i32, i32
  }
}

module attributes {stable_mosaic.version = 14 : i64} {
  func.func @_tc_body(%arg0: i32, %arg1: memref<4096x128xf32, #tpu.memory_space<vmem>>, %arg2: memref<4096x128xf32, #tpu.memory_space<vmem>>, %arg3: memref<4096x1xf32, #tpu.memory_space<vmem>>, %arg4: memref<2x64xf32, #tpu.memory_space<vmem>>, %arg5: memref<2x64xf32, #tpu.memory_space<vmem>>, %arg6: memref<64x64xbf16, #tpu.memory_space<vmem>>, %arg7: memref<64x64xbf16, #tpu.memory_space<vmem>>, %arg8: memref<3x64xf32, #tpu.memory_space<vmem>>, %arg9: memref<2x64xf32, #tpu.memory_space<vmem>>, %arg10: memref<256x64xbf16, #tpu.memory_space<vmem>>, %arg11: memref<3x256xf32, #tpu.memory_space<vmem>>, %arg12: memref<128x256xbf16, #tpu.memory_space<vmem>>, %arg13: memref<3x128xf32, #tpu.memory_space<vmem>>, %arg14: memref<64x128xbf16, #tpu.memory_space<vmem>>, %arg15: memref<3x64xf32, #tpu.memory_space<vmem>>, %arg16: memref<32x128xf32, #tpu.memory_space<vmem>>) attributes {dimension_semantics = [#tpu.dimension_semantics<arbitrary>], iteration_bounds = array<i64: 4>, scalar_prefetch = 0 : i64, scratch_operands = 0 : i64, tpu.core_type = #tpu.core_type<tc>, window_params = [{transform_indices = @transform_0, window_bounds = array<i64: 4096, 128>}, {transform_indices = @transform_1, window_bounds = array<i64: 4096, 128>}, {transform_indices = @transform_2, window_bounds = array<i64: 4096, 1>}, {pipeline_mode = #tpu.pipeline_mode<synchronous>, transform_indices = @transform_3, window_bounds = array<i64: 2, 64>}, {pipeline_mode = #tpu.pipeline_mode<synchronous>, transform_indices = @transform_4, window_bounds = array<i64: 2, 64>}, {pipeline_mode = #tpu.pipeline_mode<synchronous>, transform_indices = @transform_5, window_bounds = array<i64: 64, 64>}, {pipeline_mode = #tpu.pipeline_mode<synchronous>, transform_indices = @transform_6, window_bounds = array<i64: 64, 64>}, {pipeline_mode = #tpu.pipeline_mode<synchronous>, transform_indices = @transform_7, window_bounds = array<i64: 3, 64>}, {pipeline_mode = #tpu.pipeline_mode<synchronous>, transform_indices = @transform_8, window_bounds = array<i64: 2, 64>}, {pipeline_mode = #tpu.pipeline_mode<synchronous>, transform_indices = @transform_9, window_bounds = array<i64: 256, 64>}, {pipeline_mode = #tpu.pipeline_mode<synchronous>, transform_indices = @transform_10, window_bounds = array<i64: 3, 256>}, {pipeline_mode = #tpu.pipeline_mode<synchronous>, transform_indices = @transform_11, window_bounds = array<i64: 128, 256>}, {pipeline_mode = #tpu.pipeline_mode<synchronous>, transform_indices = @transform_12, window_bounds = array<i64: 3, 128>}, {pipeline_mode = #tpu.pipeline_mode<synchronous>, transform_indices = @transform_13, window_bounds = array<i64: 64, 128>}, {pipeline_mode = #tpu.pipeline_mode<synchronous>, transform_indices = @transform_14, window_bounds = array<i64: 3, 64>}, {transform_indices = @transform_15, window_bounds = array<i64: 32, 128>}]} {
    %get3A = arith.constant 0 : index
    %get3A_0 = arith.constant 0 : index
    %get3A_1 = vector.load %arg4[%get3A, %get3A_0] : memref<2x64xf32, #tpu.memory_space<vmem>>, vector<1x64xf32>
    %get3A_2 = arith.constant 1 : index
    %get3A_3 = arith.constant 0 : index
    %get3A_4 = vector.load %arg4[%get3A_2, %get3A_3] : memref<2x64xf32, #tpu.memory_space<vmem>>, vector<1x64xf32>
    %get3A_5 = arith.constant 0 : index
    %get3A_6 = arith.constant 0 : index
    %get3A_7 = vector.load %arg5[%get3A_5, %get3A_6] : memref<2x64xf32, #tpu.memory_space<vmem>>, vector<1x64xf32>
    %get3A_8 = arith.constant 1 : index
    %get3A_9 = arith.constant 0 : index
    %get3A_10 = vector.load %arg5[%get3A_8, %get3A_9] : memref<2x64xf32, #tpu.memory_space<vmem>>, vector<1x64xf32>
    %get3A_11 = arith.constant 0 : index
    %get3A_12 = arith.constant 0 : index
    %get3A_13 = vector.load %arg1[%get3A_11, %get3A_12] : memref<4096x128xf32, #tpu.memory_space<vmem>>, vector<4096x64xf32>
    %get3A_14 = arith.constant 0 : index
    %get3A_15 = arith.constant 64 : index
    %get3A_16 = vector.load %arg1[%get3A_14, %get3A_15] : memref<4096x128xf32, #tpu.memory_space<vmem>>, vector<4096x64xf32>
    %get3A_17 = arith.constant 0 : index
    %get3A_18 = arith.constant 0 : index
    %get3A_19 = vector.load %arg3[%get3A_17, %get3A_18] : memref<4096x1xf32, #tpu.memory_space<vmem>>, vector<4096x1xf32>
    %broadcast_in_dim3A = arith.constant 1.000000e+00 : f32
    %broadcast_in_dim3A_20 = vector.broadcast %broadcast_in_dim3A : f32 to vector<1x64xf32>
    %dot_general3A = arith.constant dense<0.000000e+00> : vector<4096x64xf32>
    %dot_general3A_21 = tpu.matmul %get3A_19, %broadcast_in_dim3A_20, %dot_general3A {dimension_numbers = #tpu.dot_dimension_numbers<[1], [0], [0], [1], [0, 0, 1, 1], [], []>, transpose_lhs_hint = false} : vector<4096x1xf32>, vector<1x64xf32>, vector<4096x64xf32> -> vector<4096x64xf32>
    %sub3A = arith.subf %get3A_16, %get3A_13 : vector<4096x64xf32>
    %mul3A = arith.mulf %dot_general3A_21, %sub3A : vector<4096x64xf32>
    %add3A = arith.addf %get3A_13, %mul3A : vector<4096x64xf32>
    %get3A_22 = arith.constant 0 : index
    %get3A_23 = arith.constant 0 : index
    %get3A_24 = vector.load %arg2[%get3A_22, %get3A_23] : memref<4096x128xf32, #tpu.memory_space<vmem>>, vector<4096x64xf32>
    %get3A_25 = arith.constant 0 : index
    %get3A_26 = arith.constant 64 : index
    %get3A_27 = vector.load %arg2[%get3A_25, %get3A_26] : memref<4096x128xf32, #tpu.memory_space<vmem>>, vector<4096x64xf32>
    %broadcast_in_dim3A_28 = arith.constant 1.562500e-02 : f32
    %broadcast_in_dim3A_29 = vector.broadcast %broadcast_in_dim3A_28 : f32 to vector<64x1xf32>
    %dot_general3A_30 = arith.constant dense<0.000000e+00> : vector<4096x1xf32>
    %dot_general3A_31 = tpu.matmul %add3A, %broadcast_in_dim3A_29, %dot_general3A_30 {dimension_numbers = #tpu.dot_dimension_numbers<[1], [0], [0], [1], [0, 0, 1, 1], [], []>, transpose_lhs_hint = false} : vector<4096x64xf32>, vector<64x1xf32>, vector<4096x1xf32> -> vector<4096x1xf32>
    %mul3A_32 = arith.mulf %add3A, %add3A : vector<4096x64xf32>
    %dot_general3A_33 = arith.constant dense<0.000000e+00> : vector<4096x1xf32>
    %dot_general3A_34 = tpu.matmul %mul3A_32, %broadcast_in_dim3A_29, %dot_general3A_33 {dimension_numbers = #tpu.dot_dimension_numbers<[1], [0], [0], [1], [0, 0, 1, 1], [], []>, transpose_lhs_hint = false} : vector<4096x64xf32>, vector<64x1xf32>, vector<4096x1xf32> -> vector<4096x1xf32>
    %mul3A_35 = arith.mulf %dot_general3A_31, %dot_general3A_31 : vector<4096x1xf32>
    %sub3A_36 = arith.subf %dot_general3A_34, %mul3A_35 : vector<4096x1xf32>
    %add3A_37 = arith.constant 9.99999974E-6 : f32
    %add3A_38 = vector.broadcast %add3A_37 : f32 to vector<4096x1xf32>
    %add3A_39 = arith.addf %sub3A_36, %add3A_38 : vector<4096x1xf32>
    %rsqrt3A = math.rsqrt %add3A_39 : vector<4096x1xf32>
    %dot_general3A_40 = arith.constant dense<0.000000e+00> : vector<4096x64xf32>
    %dot_general3A_41 = tpu.matmul %rsqrt3A, %get3A_1, %dot_general3A_40 {dimension_numbers = #tpu.dot_dimension_numbers<[1], [0], [0], [1], [0, 0, 1, 1], [], []>, transpose_lhs_hint = false} : vector<4096x1xf32>, vector<1x64xf32>, vector<4096x64xf32> -> vector<4096x64xf32>
    %mul3A_42 = arith.mulf %dot_general3A_31, %rsqrt3A : vector<4096x1xf32>
    %dot_general3A_43 = arith.constant dense<0.000000e+00> : vector<4096x64xf32>
    %dot_general3A_44 = tpu.matmul %mul3A_42, %get3A_1, %dot_general3A_43 {dimension_numbers = #tpu.dot_dimension_numbers<[1], [0], [0], [1], [0, 0, 1, 1], [], []>, transpose_lhs_hint = false} : vector<4096x1xf32>, vector<1x64xf32>, vector<4096x64xf32> -> vector<4096x64xf32>
    %mul3A_45 = arith.mulf %add3A, %dot_general3A_41 : vector<4096x64xf32>
    %sub3A_46 = arith.subf %mul3A_45, %dot_general3A_44 : vector<4096x64xf32>
    %add3A_47 = vector.broadcast %get3A_4 : vector<1x64xf32> to vector<4096x64xf32>
    %add3A_48 = arith.addf %sub3A_46, %add3A_47 : vector<4096x64xf32>
    %broadcast_in_dim3A_49 = arith.constant 1.562500e-02 : f32
    %broadcast_in_dim3A_50 = vector.broadcast %broadcast_in_dim3A_49 : f32 to vector<64x1xf32>
    %dot_general3A_51 = arith.constant dense<0.000000e+00> : vector<4096x1xf32>
    %dot_general3A_52 = tpu.matmul %get3A_24, %broadcast_in_dim3A_50, %dot_general3A_51 {dimension_numbers = #tpu.dot_dimension_numbers<[1], [0], [0], [1], [0, 0, 1, 1], [], []>, transpose_lhs_hint = false} : vector<4096x64xf32>, vector<64x1xf32>, vector<4096x1xf32> -> vector<4096x1xf32>
    %mul3A_53 = arith.mulf %get3A_24, %get3A_24 : vector<4096x64xf32>
    %dot_general3A_54 = arith.constant dense<0.000000e+00> : vector<4096x1xf32>
    %dot_general3A_55 = tpu.matmul %mul3A_53, %broadcast_in_dim3A_50, %dot_general3A_54 {dimension_numbers = #tpu.dot_dimension_numbers<[1], [0], [0], [1], [0, 0, 1, 1], [], []>, transpose_lhs_hint = false} : vector<4096x64xf32>, vector<64x1xf32>, vector<4096x1xf32> -> vector<4096x1xf32>
    %mul3A_56 = arith.mulf %dot_general3A_52, %dot_general3A_52 : vector<4096x1xf32>
    %sub3A_57 = arith.subf %dot_general3A_55, %mul3A_56 : vector<4096x1xf32>
    %add3A_58 = arith.constant 9.99999974E-6 : f32
    %add3A_59 = vector.broadcast %add3A_58 : f32 to vector<4096x1xf32>
    %add3A_60 = arith.addf %sub3A_57, %add3A_59 : vector<4096x1xf32>
    %rsqrt3A_61 = math.rsqrt %add3A_60 : vector<4096x1xf32>
    %dot_general3A_62 = arith.constant dense<0.000000e+00> : vector<4096x64xf32>
    %dot_general3A_63 = tpu.matmul %rsqrt3A_61, %get3A_1, %dot_general3A_62 {dimension_numbers = #tpu.dot_dimension_numbers<[1], [0], [0], [1], [0, 0, 1, 1], [], []>, transpose_lhs_hint = false} : vector<4096x1xf32>, vector<1x64xf32>, vector<4096x64xf32> -> vector<4096x64xf32>
    %mul3A_64 = arith.mulf %dot_general3A_52, %rsqrt3A_61 : vector<4096x1xf32>
    %dot_general3A_65 = arith.constant dense<0.000000e+00> : vector<4096x64xf32>
    %dot_general3A_66 = tpu.matmul %mul3A_64, %get3A_1, %dot_general3A_65 {dimension_numbers = #tpu.dot_dimension_numbers<[1], [0], [0], [1], [0, 0, 1, 1], [], []>, transpose_lhs_hint = false} : vector<4096x1xf32>, vector<1x64xf32>, vector<4096x64xf32> -> vector<4096x64xf32>
    %mul3A_67 = arith.mulf %get3A_24, %dot_general3A_63 : vector<4096x64xf32>
    %sub3A_68 = arith.subf %mul3A_67, %dot_general3A_66 : vector<4096x64xf32>
    %add3A_69 = vector.broadcast %get3A_4 : vector<1x64xf32> to vector<4096x64xf32>
    %add3A_70 = arith.addf %sub3A_68, %add3A_69 : vector<4096x64xf32>
    %mul3A_71 = arith.mulf %add3A_48, %add3A_70 : vector<4096x64xf32>
    %get3A_72 = arith.constant 0 : index
    %get3A_73 = arith.constant 0 : index
    %get3A_74 = vector.load %arg9[%get3A_72, %get3A_73] : memref<2x64xf32, #tpu.memory_space<vmem>>, vector<1x64xf32>
    %dot_general3A_75 = arith.constant dense<0.000000e+00> : vector<4096x1xf32>
    %dot_general3A_76 = tpu.matmul %mul3A_71, %get3A_74, %dot_general3A_75 {dimension_numbers = #tpu.dot_dimension_numbers<[1], [1], [0], [0], [0, 0, 1, 0], [], []>, transpose_lhs_hint = false} : vector<4096x64xf32>, vector<1x64xf32>, vector<4096x1xf32> -> vector<4096x1xf32>
    %broadcast_in_dim3A_77 = arith.constant 1.562500e-02 : f32
    %broadcast_in_dim3A_78 = vector.broadcast %broadcast_in_dim3A_77 : f32 to vector<64x1xf32>
    %dot_general3A_79 = arith.constant dense<0.000000e+00> : vector<4096x1xf32>
    %dot_general3A_80 = tpu.matmul %get3A_27, %broadcast_in_dim3A_78, %dot_general3A_79 {dimension_numbers = #tpu.dot_dimension_numbers<[1], [0], [0], [1], [0, 0, 1, 1], [], []>, transpose_lhs_hint = false} : vector<4096x64xf32>, vector<64x1xf32>, vector<4096x1xf32> -> vector<4096x1xf32>
    %mul3A_81 = arith.mulf %get3A_27, %get3A_27 : vector<4096x64xf32>
    %dot_general3A_82 = arith.constant dense<0.000000e+00> : vector<4096x1xf32>
    %dot_general3A_83 = tpu.matmul %mul3A_81, %broadcast_in_dim3A_78, %dot_general3A_82 {dimension_numbers = #tpu.dot_dimension_numbers<[1], [0], [0], [1], [0, 0, 1, 1], [], []>, transpose_lhs_hint = false} : vector<4096x64xf32>, vector<64x1xf32>, vector<4096x1xf32> -> vector<4096x1xf32>
    %mul3A_84 = arith.mulf %dot_general3A_80, %dot_general3A_80 : vector<4096x1xf32>
    %sub3A_85 = arith.subf %dot_general3A_83, %mul3A_84 : vector<4096x1xf32>
    %add3A_86 = arith.constant 9.99999974E-6 : f32
    %add3A_87 = vector.broadcast %add3A_86 : f32 to vector<4096x1xf32>
    %add3A_88 = arith.addf %sub3A_85, %add3A_87 : vector<4096x1xf32>
    %rsqrt3A_89 = math.rsqrt %add3A_88 : vector<4096x1xf32>
    %dot_general3A_90 = arith.constant dense<0.000000e+00> : vector<4096x64xf32>
    %dot_general3A_91 = tpu.matmul %rsqrt3A_89, %get3A_7, %dot_general3A_90 {dimension_numbers = #tpu.dot_dimension_numbers<[1], [0], [0], [1], [0, 0, 1, 1], [], []>, transpose_lhs_hint = false} : vector<4096x1xf32>, vector<1x64xf32>, vector<4096x64xf32> -> vector<4096x64xf32>
    %mul3A_92 = arith.mulf %dot_general3A_80, %rsqrt3A_89 : vector<4096x1xf32>
    %dot_general3A_93 = arith.constant dense<0.000000e+00> : vector<4096x64xf32>
    %dot_general3A_94 = tpu.matmul %mul3A_92, %get3A_7, %dot_general3A_93 {dimension_numbers = #tpu.dot_dimension_numbers<[1], [0], [0], [1], [0, 0, 1, 1], [], []>, transpose_lhs_hint = false} : vector<4096x1xf32>, vector<1x64xf32>, vector<4096x64xf32> -> vector<4096x64xf32>
    %mul3A_95 = arith.mulf %get3A_27, %dot_general3A_91 : vector<4096x64xf32>
    %sub3A_96 = arith.subf %mul3A_95, %dot_general3A_94 : vector<4096x64xf32>
    %add3A_97 = vector.broadcast %get3A_10 : vector<1x64xf32> to vector<4096x64xf32>
    %add3A_98 = arith.addf %sub3A_96, %add3A_97 : vector<4096x64xf32>
    %get3A_99 = arith.constant 0 : index
    %get3A_100 = arith.constant 0 : index
    %get3A_101 = vector.load %arg6[%get3A_99, %get3A_100] : memref<64x64xbf16, #tpu.memory_space<vmem>>, vector<64x64xbf16>
    %convert_element_type3A = arith.truncf %add3A_98 : vector<4096x64xf32> to vector<4096x64xbf16>
    %dot_general3A_102 = arith.constant dense<0.000000e+00> : vector<4096x64xf32>
    %dot_general3A_103 = tpu.matmul %convert_element_type3A, %get3A_101, %dot_general3A_102 {dimension_numbers = #tpu.dot_dimension_numbers<[1], [1], [0], [0], [0, 0, 1, 0], [], []>, transpose_lhs_hint = false} : vector<4096x64xbf16>, vector<64x64xbf16>, vector<4096x64xf32> -> vector<4096x64xf32>
    %get3A_104 = arith.constant 0 : index
    %get3A_105 = arith.constant 0 : index
    %get3A_106 = vector.load %arg8[%get3A_104, %get3A_105] : memref<3x64xf32, #tpu.memory_space<vmem>>, vector<1x64xf32>
    %add3A_107 = vector.broadcast %get3A_106 : vector<1x64xf32> to vector<4096x64xf32>
    %add3A_108 = arith.addf %dot_general3A_103, %add3A_107 : vector<4096x64xf32>
    %get3A_109 = arith.constant 0 : index
    %get3A_110 = arith.constant 0 : index
    %get3A_111 = vector.load %arg7[%get3A_109, %get3A_110] : memref<64x64xbf16, #tpu.memory_space<vmem>>, vector<64x64xbf16>
    %convert_element_type3A_112 = arith.truncf %add3A_108 : vector<4096x64xf32> to vector<4096x64xbf16>
    %dot_general3A_113 = arith.constant dense<0.000000e+00> : vector<4096x64xf32>
    %dot_general3A_114 = tpu.matmul %convert_element_type3A_112, %get3A_111, %dot_general3A_113 {dimension_numbers = #tpu.dot_dimension_numbers<[1], [1], [0], [0], [0, 0, 1, 0], [], []>, transpose_lhs_hint = false} : vector<4096x64xbf16>, vector<64x64xbf16>, vector<4096x64xf32> -> vector<4096x64xf32>
    %get3A_115 = arith.constant 1 : index
    %get3A_116 = arith.constant 0 : index
    %get3A_117 = vector.load %arg8[%get3A_115, %get3A_116] : memref<3x64xf32, #tpu.memory_space<vmem>>, vector<1x64xf32>
    %add3A_118 = vector.broadcast %get3A_117 : vector<1x64xf32> to vector<4096x64xf32>
    %add3A_119 = arith.addf %dot_general3A_114, %add3A_118 : vector<4096x64xf32>
    %get3A_120 = arith.constant 0 : index
    %get3A_121 = arith.constant 0 : index
    %get3A_122 = vector.load %arg10[%get3A_120, %get3A_121] : memref<256x64xbf16, #tpu.memory_space<vmem>>, vector<256x64xbf16>
    %convert_element_type3A_123 = arith.truncf %add3A_119 : vector<4096x64xf32> to vector<4096x64xbf16>
    %dot_general3A_124 = arith.constant dense<0.000000e+00> : vector<4096x256xf32>
    %dot_general3A_125 = tpu.matmul %convert_element_type3A_123, %get3A_122, %dot_general3A_124 {dimension_numbers = #tpu.dot_dimension_numbers<[1], [1], [0], [0], [0, 0, 1, 0], [], []>, transpose_lhs_hint = false} : vector<4096x64xbf16>, vector<256x64xbf16>, vector<4096x256xf32> -> vector<4096x256xf32>
    %get3A_126 = arith.constant 0 : index
    %get3A_127 = arith.constant 0 : index
    %get3A_128 = vector.load %arg11[%get3A_126, %get3A_127] : memref<3x256xf32, #tpu.memory_space<vmem>>, vector<1x256xf32>
    %add3A_129 = vector.broadcast %get3A_128 : vector<1x256xf32> to vector<4096x256xf32>
    %add3A_130 = arith.addf %dot_general3A_125, %add3A_129 : vector<4096x256xf32>
    %max3A = arith.constant 0.000000e+00 : f32
    %max3A_131 = vector.broadcast %max3A : f32 to vector<4096x256xf32>
    %max3A_132 = arith.maximumf %add3A_130, %max3A_131 : vector<4096x256xf32>
    %get3A_133 = arith.constant 1 : index
    %get3A_134 = arith.constant 0 : index
    %get3A_135 = vector.load %arg11[%get3A_133, %get3A_134] : memref<3x256xf32, #tpu.memory_space<vmem>>, vector<1x256xf32>
    %get3A_136 = arith.constant 2 : index
    %get3A_137 = arith.constant 0 : index
    %get3A_138 = vector.load %arg11[%get3A_136, %get3A_137] : memref<3x256xf32, #tpu.memory_space<vmem>>, vector<1x256xf32>
    %broadcast_in_dim3A_139 = arith.constant 3.906250e-03 : f32
    %broadcast_in_dim3A_140 = vector.broadcast %broadcast_in_dim3A_139 : f32 to vector<256x1xf32>
    %dot_general3A_141 = arith.constant dense<0.000000e+00> : vector<4096x1xf32>
    %dot_general3A_142 = tpu.matmul %max3A_132, %broadcast_in_dim3A_140, %dot_general3A_141 {dimension_numbers = #tpu.dot_dimension_numbers<[1], [0], [0], [1], [0, 0, 1, 1], [], []>, transpose_lhs_hint = false} : vector<4096x256xf32>, vector<256x1xf32>, vector<4096x1xf32> -> vector<4096x1xf32>
    %mul3A_143 = arith.mulf %max3A_132, %max3A_132 : vector<4096x256xf32>
    %dot_general3A_144 = arith.constant dense<0.000000e+00> : vector<4096x1xf32>
    %dot_general3A_145 = tpu.matmul %mul3A_143, %broadcast_in_dim3A_140, %dot_general3A_144 {dimension_numbers = #tpu.dot_dimension_numbers<[1], [0], [0], [1], [0, 0, 1, 1], [], []>, transpose_lhs_hint = false} : vector<4096x256xf32>, vector<256x1xf32>, vector<4096x1xf32> -> vector<4096x1xf32>
    %mul3A_146 = arith.mulf %dot_general3A_142, %dot_general3A_142 : vector<4096x1xf32>
    %sub3A_147 = arith.subf %dot_general3A_145, %mul3A_146 : vector<4096x1xf32>
    %add3A_148 = arith.constant 9.99999974E-6 : f32
    %add3A_149 = vector.broadcast %add3A_148 : f32 to vector<4096x1xf32>
    %add3A_150 = arith.addf %sub3A_147, %add3A_149 : vector<4096x1xf32>
    %rsqrt3A_151 = math.rsqrt %add3A_150 : vector<4096x1xf32>
    %dot_general3A_152 = arith.constant dense<0.000000e+00> : vector<4096x256xf32>
    %dot_general3A_153 = tpu.matmul %rsqrt3A_151, %get3A_135, %dot_general3A_152 {dimension_numbers = #tpu.dot_dimension_numbers<[1], [0], [0], [1], [0, 0, 1, 1], [], []>, transpose_lhs_hint = false} : vector<4096x1xf32>, vector<1x256xf32>, vector<4096x256xf32> -> vector<4096x256xf32>
    %mul3A_154 = arith.mulf %dot_general3A_142, %rsqrt3A_151 : vector<4096x1xf32>
    %dot_general3A_155 = arith.constant dense<0.000000e+00> : vector<4096x256xf32>
    %dot_general3A_156 = tpu.matmul %mul3A_154, %get3A_135, %dot_general3A_155 {dimension_numbers = #tpu.dot_dimension_numbers<[1], [0], [0], [1], [0, 0, 1, 1], [], []>, transpose_lhs_hint = false} : vector<4096x1xf32>, vector<1x256xf32>, vector<4096x256xf32> -> vector<4096x256xf32>
    %mul3A_157 = arith.mulf %max3A_132, %dot_general3A_153 : vector<4096x256xf32>
    %sub3A_158 = arith.subf %mul3A_157, %dot_general3A_156 : vector<4096x256xf32>
    %add3A_159 = vector.broadcast %get3A_138 : vector<1x256xf32> to vector<4096x256xf32>
    %add3A_160 = arith.addf %sub3A_158, %add3A_159 : vector<4096x256xf32>
    %get3A_161 = arith.constant 0 : index
    %get3A_162 = arith.constant 0 : index
    %get3A_163 = vector.load %arg12[%get3A_161, %get3A_162] : memref<128x256xbf16, #tpu.memory_space<vmem>>, vector<128x256xbf16>
    %convert_element_type3A_164 = arith.truncf %add3A_160 : vector<4096x256xf32> to vector<4096x256xbf16>
    %dot_general3A_165 = arith.constant dense<0.000000e+00> : vector<4096x128xf32>
    %dot_general3A_166 = tpu.matmul %convert_element_type3A_164, %get3A_163, %dot_general3A_165 {dimension_numbers = #tpu.dot_dimension_numbers<[1], [1], [0], [0], [0, 0, 1, 0], [], []>, transpose_lhs_hint = false} : vector<4096x256xbf16>, vector<128x256xbf16>, vector<4096x128xf32> -> vector<4096x128xf32>
    %get3A_167 = arith.constant 0 : index
    %get3A_168 = arith.constant 0 : index
    %get3A_169 = vector.load %arg13[%get3A_167, %get3A_168] : memref<3x128xf32, #tpu.memory_space<vmem>>, vector<1x128xf32>
    %add3A_170 = vector.broadcast %get3A_169 : vector<1x128xf32> to vector<4096x128xf32>
    %add3A_171 = arith.addf %dot_general3A_166, %add3A_170 : vector<4096x128xf32>
    %max3A_172 = arith.constant 0.000000e+00 : f32
    %max3A_173 = vector.broadcast %max3A_172 : f32 to vector<4096x128xf32>
    %max3A_174 = arith.maximumf %add3A_171, %max3A_173 : vector<4096x128xf32>
    %get3A_175 = arith.constant 1 : index
    %get3A_176 = arith.constant 0 : index
    %get3A_177 = vector.load %arg13[%get3A_175, %get3A_176] : memref<3x128xf32, #tpu.memory_space<vmem>>, vector<1x128xf32>
    %get3A_178 = arith.constant 2 : index
    %get3A_179 = arith.constant 0 : index
    %get3A_180 = vector.load %arg13[%get3A_178, %get3A_179] : memref<3x128xf32, #tpu.memory_space<vmem>>, vector<1x128xf32>
    %broadcast_in_dim3A_181 = arith.constant 7.812500e-03 : f32
    %broadcast_in_dim3A_182 = vector.broadcast %broadcast_in_dim3A_181 : f32 to vector<128x1xf32>
    %dot_general3A_183 = arith.constant dense<0.000000e+00> : vector<4096x1xf32>
    %dot_general3A_184 = tpu.matmul %max3A_174, %broadcast_in_dim3A_182, %dot_general3A_183 {dimension_numbers = #tpu.dot_dimension_numbers<[1], [0], [0], [1], [0, 0, 1, 1], [], []>, transpose_lhs_hint = false} : vector<4096x128xf32>, vector<128x1xf32>, vector<4096x1xf32> -> vector<4096x1xf32>
    %mul3A_185 = arith.mulf %max3A_174, %max3A_174 : vector<4096x128xf32>
    %dot_general3A_186 = arith.constant dense<0.000000e+00> : vector<4096x1xf32>
    %dot_general3A_187 = tpu.matmul %mul3A_185, %broadcast_in_dim3A_182, %dot_general3A_186 {dimension_numbers = #tpu.dot_dimension_numbers<[1], [0], [0], [1], [0, 0, 1, 1], [], []>, transpose_lhs_hint = false} : vector<4096x128xf32>, vector<128x1xf32>, vector<4096x1xf32> -> vector<4096x1xf32>
    %mul3A_188 = arith.mulf %dot_general3A_184, %dot_general3A_184 : vector<4096x1xf32>
    %sub3A_189 = arith.subf %dot_general3A_187, %mul3A_188 : vector<4096x1xf32>
    %add3A_190 = arith.constant 9.99999974E-6 : f32
    %add3A_191 = vector.broadcast %add3A_190 : f32 to vector<4096x1xf32>
    %add3A_192 = arith.addf %sub3A_189, %add3A_191 : vector<4096x1xf32>
    %rsqrt3A_193 = math.rsqrt %add3A_192 : vector<4096x1xf32>
    %dot_general3A_194 = arith.constant dense<0.000000e+00> : vector<4096x128xf32>
    %dot_general3A_195 = tpu.matmul %rsqrt3A_193, %get3A_177, %dot_general3A_194 {dimension_numbers = #tpu.dot_dimension_numbers<[1], [0], [0], [1], [0, 0, 1, 1], [], []>, transpose_lhs_hint = false} : vector<4096x1xf32>, vector<1x128xf32>, vector<4096x128xf32> -> vector<4096x128xf32>
    %mul3A_196 = arith.mulf %dot_general3A_184, %rsqrt3A_193 : vector<4096x1xf32>
    %dot_general3A_197 = arith.constant dense<0.000000e+00> : vector<4096x128xf32>
    %dot_general3A_198 = tpu.matmul %mul3A_196, %get3A_177, %dot_general3A_197 {dimension_numbers = #tpu.dot_dimension_numbers<[1], [0], [0], [1], [0, 0, 1, 1], [], []>, transpose_lhs_hint = false} : vector<4096x1xf32>, vector<1x128xf32>, vector<4096x128xf32> -> vector<4096x128xf32>
    %mul3A_199 = arith.mulf %max3A_174, %dot_general3A_195 : vector<4096x128xf32>
    %sub3A_200 = arith.subf %mul3A_199, %dot_general3A_198 : vector<4096x128xf32>
    %add3A_201 = vector.broadcast %get3A_180 : vector<1x128xf32> to vector<4096x128xf32>
    %add3A_202 = arith.addf %sub3A_200, %add3A_201 : vector<4096x128xf32>
    %get3A_203 = arith.constant 0 : index
    %get3A_204 = arith.constant 0 : index
    %get3A_205 = vector.load %arg14[%get3A_203, %get3A_204] : memref<64x128xbf16, #tpu.memory_space<vmem>>, vector<64x128xbf16>
    %convert_element_type3A_206 = arith.truncf %add3A_202 : vector<4096x128xf32> to vector<4096x128xbf16>
    %dot_general3A_207 = arith.constant dense<0.000000e+00> : vector<4096x64xf32>
    %dot_general3A_208 = tpu.matmul %convert_element_type3A_206, %get3A_205, %dot_general3A_207 {dimension_numbers = #tpu.dot_dimension_numbers<[1], [1], [0], [0], [0, 0, 1, 0], [], []>, transpose_lhs_hint = false} : vector<4096x128xbf16>, vector<64x128xbf16>, vector<4096x64xf32> -> vector<4096x64xf32>
    %get3A_209 = arith.constant 0 : index
    %get3A_210 = arith.constant 0 : index
    %get3A_211 = vector.load %arg15[%get3A_209, %get3A_210] : memref<3x64xf32, #tpu.memory_space<vmem>>, vector<1x64xf32>
    %add3A_212 = vector.broadcast %get3A_211 : vector<1x64xf32> to vector<4096x64xf32>
    %add3A_213 = arith.addf %dot_general3A_208, %add3A_212 : vector<4096x64xf32>
    %max3A_214 = arith.constant 0.000000e+00 : f32
    %max3A_215 = vector.broadcast %max3A_214 : f32 to vector<4096x64xf32>
    %max3A_216 = arith.maximumf %add3A_213, %max3A_215 : vector<4096x64xf32>
    %get3A_217 = arith.constant 1 : index
    %get3A_218 = arith.constant 0 : index
    %get3A_219 = vector.load %arg15[%get3A_217, %get3A_218] : memref<3x64xf32, #tpu.memory_space<vmem>>, vector<1x64xf32>
    %get3A_220 = arith.constant 2 : index
    %get3A_221 = arith.constant 0 : index
    %get3A_222 = vector.load %arg15[%get3A_220, %get3A_221] : memref<3x64xf32, #tpu.memory_space<vmem>>, vector<1x64xf32>
    %broadcast_in_dim3A_223 = arith.constant 1.562500e-02 : f32
    %broadcast_in_dim3A_224 = vector.broadcast %broadcast_in_dim3A_223 : f32 to vector<64x1xf32>
    %dot_general3A_225 = arith.constant dense<0.000000e+00> : vector<4096x1xf32>
    %dot_general3A_226 = tpu.matmul %max3A_216, %broadcast_in_dim3A_224, %dot_general3A_225 {dimension_numbers = #tpu.dot_dimension_numbers<[1], [0], [0], [1], [0, 0, 1, 1], [], []>, transpose_lhs_hint = false} : vector<4096x64xf32>, vector<64x1xf32>, vector<4096x1xf32> -> vector<4096x1xf32>
    %mul3A_227 = arith.mulf %max3A_216, %max3A_216 : vector<4096x64xf32>
    %dot_general3A_228 = arith.constant dense<0.000000e+00> : vector<4096x1xf32>
    %dot_general3A_229 = tpu.matmul %mul3A_227, %broadcast_in_dim3A_224, %dot_general3A_228 {dimension_numbers = #tpu.dot_dimension_numbers<[1], [0], [0], [1], [0, 0, 1, 1], [], []>, transpose_lhs_hint = false} : vector<4096x64xf32>, vector<64x1xf32>, vector<4096x1xf32> -> vector<4096x1xf32>
    %mul3A_230 = arith.mulf %dot_general3A_226, %dot_general3A_226 : vector<4096x1xf32>
    %sub3A_231 = arith.subf %dot_general3A_229, %mul3A_230 : vector<4096x1xf32>
    %add3A_232 = arith.constant 9.99999974E-6 : f32
    %add3A_233 = vector.broadcast %add3A_232 : f32 to vector<4096x1xf32>
    %add3A_234 = arith.addf %sub3A_231, %add3A_233 : vector<4096x1xf32>
    %rsqrt3A_235 = math.rsqrt %add3A_234 : vector<4096x1xf32>
    %dot_general3A_236 = arith.constant dense<0.000000e+00> : vector<4096x64xf32>
    %dot_general3A_237 = tpu.matmul %rsqrt3A_235, %get3A_219, %dot_general3A_236 {dimension_numbers = #tpu.dot_dimension_numbers<[1], [0], [0], [1], [0, 0, 1, 1], [], []>, transpose_lhs_hint = false} : vector<4096x1xf32>, vector<1x64xf32>, vector<4096x64xf32> -> vector<4096x64xf32>
    %mul3A_238 = arith.mulf %dot_general3A_226, %rsqrt3A_235 : vector<4096x1xf32>
    %dot_general3A_239 = arith.constant dense<0.000000e+00> : vector<4096x64xf32>
    %dot_general3A_240 = tpu.matmul %mul3A_238, %get3A_219, %dot_general3A_239 {dimension_numbers = #tpu.dot_dimension_numbers<[1], [0], [0], [1], [0, 0, 1, 1], [], []>, transpose_lhs_hint = false} : vector<4096x1xf32>, vector<1x64xf32>, vector<4096x64xf32> -> vector<4096x64xf32>
    %mul3A_241 = arith.mulf %max3A_216, %dot_general3A_237 : vector<4096x64xf32>
    %sub3A_242 = arith.subf %mul3A_241, %dot_general3A_240 : vector<4096x64xf32>
    %add3A_243 = vector.broadcast %get3A_222 : vector<1x64xf32> to vector<4096x64xf32>
    %add3A_244 = arith.addf %sub3A_242, %add3A_243 : vector<4096x64xf32>
    %get3A_245 = arith.constant 1 : index
    %get3A_246 = arith.constant 0 : index
    %get3A_247 = vector.load %arg9[%get3A_245, %get3A_246] : memref<2x64xf32, #tpu.memory_space<vmem>>, vector<1x64xf32>
    %dot_general3A_248 = arith.constant dense<0.000000e+00> : vector<4096x1xf32>
    %dot_general3A_249 = tpu.matmul %add3A_244, %get3A_247, %dot_general3A_248 {dimension_numbers = #tpu.dot_dimension_numbers<[1], [1], [0], [0], [0, 0, 1, 0], [], []>, transpose_lhs_hint = false} : vector<4096x64xf32>, vector<1x64xf32>, vector<4096x1xf32> -> vector<4096x1xf32>
    %add3A_250 = arith.addf %dot_general3A_76, %dot_general3A_249 : vector<4096x1xf32>
    %get3A_251 = arith.constant 2 : index
    %get3A_252 = arith.constant 0 : index
    %get3A_253 = vector.load %arg8[%get3A_251, %get3A_252] : memref<3x64xf32, #tpu.memory_space<vmem>>, vector<1x1xf32>
    %get3A_254 = vector.extract %get3A_253[0, 0] : f32 from vector<1x1xf32>
    %add3A_255 = vector.broadcast %get3A_254 : f32 to vector<4096x1xf32>
    %add3A_256 = arith.addf %add3A_250, %add3A_255 : vector<4096x1xf32>
    %logistic3A = arith.negf %add3A_256 : vector<4096x1xf32>
    %logistic3A_257 = math.exp %logistic3A : vector<4096x1xf32>
    %logistic3A_258 = arith.constant 1.000000e+00 : f32
    %logistic3A_259 = vector.broadcast %logistic3A_258 : f32 to vector<4096x1xf32>
    %logistic3A_260 = arith.addf %logistic3A_259, %logistic3A_257 : vector<4096x1xf32>
    %logistic3A_261 = arith.divf %logistic3A_259, %logistic3A_260 : vector<4096x1xf32>
    %reshape3A = vector.shape_cast %logistic3A_261 : vector<4096x1xf32> to vector<32x128xf32>
    %swap3A = arith.constant 0 : index
    %swap3A_262 = arith.constant 0 : index
    %swap3A_263 = vector.load %arg16[%swap3A, %swap3A_262] : memref<32x128xf32, #tpu.memory_space<vmem>>, vector<32x128xf32>
    tpu.vector_store %arg16[%swap3A, %swap3A_262], %reshape3A {strides = array<i32>} : memref<32x128xf32, #tpu.memory_space<vmem>>, vector<32x128xf32>,
    return
  }
  func.func @transform_0(%arg0: i32) -> (i32, i32) {
    %c0_i32 = arith.constant 0 : i32
    %c0_i32_0 = arith.constant 0 : i32
    return %arg0, %c0_i32 : i32, i32
  }
  func.func @transform_1(%arg0: i32) -> (i32, i32) {
    %c0_i32 = arith.constant 0 : i32
    %c0_i32_0 = arith.constant 0 : i32
    return %arg0, %c0_i32 : i32, i32
  }
  func.func @transform_2(%arg0: i32) -> (i32, i32) {
    %c0_i32 = arith.constant 0 : i32
    %c0_i32_0 = arith.constant 0 : i32
    return %arg0, %c0_i32 : i32, i32
  }
  func.func @transform_3(%arg0: i32) -> (i32, i32) {
    %c0_i32 = arith.constant 0 : i32
    %c0_i32_0 = arith.constant 0 : i32
    %c0_i32_1 = arith.constant 0 : i32
    return %c0_i32, %c0_i32_0 : i32, i32
  }
  func.func @transform_4(%arg0: i32) -> (i32, i32) {
    %c0_i32 = arith.constant 0 : i32
    %c0_i32_0 = arith.constant 0 : i32
    %c0_i32_1 = arith.constant 0 : i32
    return %c0_i32, %c0_i32_0 : i32, i32
  }
  func.func @transform_5(%arg0: i32) -> (i32, i32) {
    %c0_i32 = arith.constant 0 : i32
    %c0_i32_0 = arith.constant 0 : i32
    %c0_i32_1 = arith.constant 0 : i32
    return %c0_i32, %c0_i32_0 : i32, i32
  }
  func.func @transform_6(%arg0: i32) -> (i32, i32) {
    %c0_i32 = arith.constant 0 : i32
    %c0_i32_0 = arith.constant 0 : i32
    %c0_i32_1 = arith.constant 0 : i32
    return %c0_i32, %c0_i32_0 : i32, i32
  }
  func.func @transform_7(%arg0: i32) -> (i32, i32) {
    %c0_i32 = arith.constant 0 : i32
    %c0_i32_0 = arith.constant 0 : i32
    %c0_i32_1 = arith.constant 0 : i32
    return %c0_i32, %c0_i32_0 : i32, i32
  }
  func.func @transform_8(%arg0: i32) -> (i32, i32) {
    %c0_i32 = arith.constant 0 : i32
    %c0_i32_0 = arith.constant 0 : i32
    %c0_i32_1 = arith.constant 0 : i32
    return %c0_i32, %c0_i32_0 : i32, i32
  }
  func.func @transform_9(%arg0: i32) -> (i32, i32) {
    %c0_i32 = arith.constant 0 : i32
    %c0_i32_0 = arith.constant 0 : i32
    %c0_i32_1 = arith.constant 0 : i32
    return %c0_i32, %c0_i32_0 : i32, i32
  }
  func.func @transform_10(%arg0: i32) -> (i32, i32) {
    %c0_i32 = arith.constant 0 : i32
    %c0_i32_0 = arith.constant 0 : i32
    %c0_i32_1 = arith.constant 0 : i32
    return %c0_i32, %c0_i32_0 : i32, i32
  }
  func.func @transform_11(%arg0: i32) -> (i32, i32) {
    %c0_i32 = arith.constant 0 : i32
    %c0_i32_0 = arith.constant 0 : i32
    %c0_i32_1 = arith.constant 0 : i32
    return %c0_i32, %c0_i32_0 : i32, i32
  }
  func.func @transform_12(%arg0: i32) -> (i32, i32) {
    %c0_i32 = arith.constant 0 : i32
    %c0_i32_0 = arith.constant 0 : i32
    %c0_i32_1 = arith.constant 0 : i32
    return %c0_i32, %c0_i32_0 : i32, i32
  }
  func.func @transform_13(%arg0: i32) -> (i32, i32) {
    %c0_i32 = arith.constant 0 : i32
    %c0_i32_0 = arith.constant 0 : i32
    %c0_i32_1 = arith.constant 0 : i32
    return %c0_i32, %c0_i32_0 : i32, i32
  }
  func.func @transform_14(%arg0: i32) -> (i32, i32) {
    %c0_i32 = arith.constant 0 : i32
    %c0_i32_0 = arith.constant 0 : i32
    %c0_i32_1 = arith.constant 0 : i32
    return %c0_i32, %c0_i32_0 : i32, i32
  }
  func.func @transform_15(%arg0: i32) -> (i32, i32) {
    %c0_i32 = arith.constant 0 : i32
    %c0_i32_0 = arith.constant 0 : i32
    return %arg0, %c0_i32 : i32, i32
  }
}

</mosaic_0001>

<sc_bundles>
// kernel: kernel.10.cloned.1.call-start
scs
__scs_entry_jumppad:
0x0: {  	(pc) =	sbr.rel $0x88, $3  }
0x1: {  	(tag) =	ssettag $0x0;
	lr =	simm.s32 $0x1  }
0x2: {  	[smem:$0x3F82] =	sst lr;
	_ =	strace $0xD0000000  }
0x3: {  	_ = 	snop  }
0x4: {  	_ = 	snop  }
0x5: {  	_ = 	snop  }
0x6: {  	_ = 	snop  }
0x7: {  	_ = 	snop  }
__scs_overlays_trampoline_lowered:
0x8: {  	[smem:$0x3F91] =	sst s0  }
0x9: {  	[smem:$0x3F92] =	sst s1  }
0xa: {  	[smem:$0x3F93] =	sst s2  }
0xb: {  	[smem:$0x3F94] =	sst s3  }
0xc: {  	[smem:$0x3F95] =	sst s4  }
0xd: {  	[smem:$0x3F96] =	sst s5  }
0xe: {  	[smem:$0x3F97] =	sst s6  }
0xf: {  	[smem:$0x3F98] =	sst s7  }
0x10: {  	[smem:$0x3F99] =	sst s8  }
0x11: {  	[smem:$0x3F9A] =	sst s9;
	s0 =	simm.s32 @!p0 $0x0  }
0x12: {  	s1 =	sld [smem:$0x3F80];
	s0 =	simm.s32 @p0 $0x1  }
0x13: {  	[smem:$0x3F9B] =	sst s0;
	s0 =	simm.s32 @!p1 $0x0  }
0x14: {  	s2 =	sld [smem:$0x3F7F];
	s0 =	simm.s32 @p1 $0x1  }
0x15: {  	[smem:$0x3F9C] =	sst s0;
	s0 =	simm.s32 @!p2 $0x0  }
0x16: {  	s3 =	sld [smem:$0x3FDB];
	s0 =	simm.s32 @p2 $0x1  }
0x17: {  	s4 =	simm.s32 $0x1BF5;
	[smem:$0x3F9E] =	sst s0  }
0x18: {  	s0 =	sld [smem:$0x3F81];
	_ =	swait.ge [sflag:s4], $0x0  }
0x19: {  	s7 =	sld [smem:$0x3F82]  }
0x1a: {  	s8 =	sadd.s32 $0xFFFFE003, lr  }
0x1b: {  	s9 =	sadd.s32 $0xFFFFFEF7, lr;
	s5 =	simm.s32 $0xFFFFFFFF;
	p2 =	slt.u32 s8, $0xFFFFF086  }
0x1c: {  	p1 =	slt.u32 s9, $0xF7A;
	s5 =	simm.s32 @!p2 $0x0  }
0x1d: {  	s5 =	simm.s32 @p1 $0x1;
	p0 =	seq.s32 s7, s2  }
0x1e: {  	s7 =	smul.u32 @!p0 $0xF7A, s2;
	p2 =	seq.s32 @!p0 s5, $0x0  }
0x1f: {  	s9 =	smul.u32 $0xF7A, s1;
	s8 =	simm.s32 @!p0 $0x1BF5;
	p2 =	por !p2, p0  }
0x20: {  	[sflag:s8] =	ssyncset.s32 @!p0 $0xFFFFF086;
	s6 =	sadd.s32 @!p0 s3, s7;
	s7 =	simm.s32 @!p0 $0x108  }
0x21: {  	s3 =	sadd.s32 s3, s9;
	s6 =	sadd.s32 @!p0 $0x88, s6;
	s7 =	simm.s32 @p2 $0x1082  }
0x22: {  	[simem:s7], [sflag:s8] =	dma.local @!p0 [hbm:s6], $0xF7A  }
0x23: {  	s9 =	sor.u32 $0xD0000000, s2;
	s6 =	simm.s32 $0x108;
	_ =	swait.ge @!p0 [sflag:s8], $0x0  }
0x24: {  	s3 =	sadd.s32 $0x88, s3;
	s6 =	simm.s32 @!p1 $0x1082;
	[sflag:s4] =	ssyncset.s32 $0xFFFFF086  }
0x25: {  	[simem:s6], [sflag:s4] =	dma.local [hbm:s3], $0xF7A  }
0x26: {  	[smem:$0x3F82] =	sst s1;
	(tag) =	ssettag s2;
	_ =	strace s9  }
0x27: {  	s1 =	sld [smem:$0x3F92]  }
0x28: {  	s2 =	sld [smem:$0x3F93]  }
0x29: {  	s4 =	sld [smem:$0x3F95]  }
0x2a: {  	p0 =	seq.s32 s5, $0x0;
	s5 =	sld [smem:$0x3F96]  }
0x2b: {  	s6 =	sld [smem:$0x3F97]  }
0x2c: {  	s7 =	sld [smem:$0x3F98]  }
0x2d: {  	s3 =	simm.s32 $0x108;
	s8 =	sld [smem:$0x3F99]  }
0x2e: {  	s3 =	simm.s32 @!p0 $0x1082;
	s9 =	sld [smem:$0x3F9A]  }
0x2f: {  	lr =	sadd.s32 s0, s3;
	s0 =	sld [smem:$0x3F91]  }
0x30: {  	s3 =	sld [smem:$0x3F94]  }
0x31: {  	[smem:$0x3F9D] =	sst s10  }
0x32: {  	s10 =	sld [smem:$0x3F9B];
	_ =	sdelay $0x3  }
0x33: {  	p0 =	seq.s32 s10, $0x1;
	s10 =	sld [smem:$0x3F9D];
	_ =	sdelay $0x3  }
0x34: {  	[smem:$0x3F9D] =	sst s10  }
0x35: {  	s10 =	sld [smem:$0x3F9C];
	_ =	sdelay $0x3  }
0x36: {  	p1 =	seq.s32 s10, $0x1;
	s10 =	sld [smem:$0x3F9D];
	_ =	sdelay $0x3  }
0x37: {  	[smem:$0x3F9D] =	sst s10  }
0x38: {  	s10 =	sld [smem:$0x3F9E]  }
0x39: {  	_ = 	snop;
	(pc) =	sbr.ind lr, $3  }
0x3a: {  	_ = 	snop  }
0x3b: {  	_ = 	snop  }
0x3c: {  	p2 =	seq.s32 s10, $0x1;
	s10 =	sld [smem:$0x3F9D]  }
0x3d: {  	_ =	shalt  }
0x3e: {  	_ =	shalt  }
0x3f: {  	_ =	shalt  }
0x40: {  	_ =	shalt  }
0x41: {  	_ =	shalt  }
0x42: {  	_ =	shalt  }
0x43: {  	_ =	shalt  }
0x44: {  	_ =	shalt  }
0x45: {  	_ =	shalt  }
0x46: {  	_ =	shalt  }
0x47: {  	_ =	shalt  }
0x48: {  	_ =	shalt  }
0x49: {  	_ =	shalt  }
0x4a: {  	_ =	shalt  }
0x4b: {  	_ =	shalt  }
0x4c: {  	_ =	shalt  }
0x4d: {  	_ =	shalt  }
0x4e: {  	_ =	shalt  }
0x4f: {  	_ =	shalt  }
0x50: {  	_ =	shalt  }
0x51: {  	_ =	shalt  }
0x52: {  	_ =	shalt  }
0x53: {  	_ =	shalt  }
0x54: {  	_ =	shalt  }
0x55: {  	_ =	shalt  }
0x56: {  	_ =	shalt  }
0x57: {  	_ =	shalt  }
0x58: {  	_ =	shalt  }
0x59: {  	_ =	shalt  }
0x5a: {  	_ =	shalt  }
0x5b: {  	_ =	shalt  }
0x5c: {  	_ =	shalt  }
0x5d: {  	_ =	shalt  }
0x5e: {  	_ =	shalt  }
0x5f: {  	_ =	shalt  }
0x60: {  	_ =	shalt  }
0x61: {  	_ =	shalt  }
0x62: {  	_ =	shalt  }
0x63: {  	_ =	shalt  }
0x64: {  	_ =	shalt  }
0x65: {  	_ =	shalt  }
0x66: {  	_ =	shalt  }
0x67: {  	_ =	shalt  }
0x68: {  	_ =	shalt  }
0x69: {  	_ =	shalt  }
0x6a: {  	_ =	shalt  }
0x6b: {  	_ =	shalt  }
0x6c: {  	_ =	shalt  }
0x6d: {  	_ =	shalt  }
0x6e: {  	_ =	shalt  }
0x6f: {  	_ =	shalt  }
0x70: {  	_ =	shalt  }
0x71: {  	_ =	shalt  }
0x72: {  	_ =	shalt  }
0x73: {  	_ =	shalt  }
0x74: {  	_ =	shalt  }
0x75: {  	_ =	shalt  }
0x76: {  	_ =	shalt  }
0x77: {  	_ =	shalt  }
0x78: {  	_ =	shalt  }
0x79: {  	_ =	shalt  }
0x7a: {  	_ =	shalt  }
0x7b: {  	_ =	shalt  }
0x7c: {  	_ =	shalt  }
0x7d: {  	_ =	shalt  }
0x7e: {  	_ =	shalt  }
0x7f: {  	_ =	shalt  }
0x80: {  	_ =	shalt  }
0x81: {  	_ =	shalt  }
0x82: {  	_ =	shalt  }
0x83: {  	_ =	shalt  }
0x84: {  	_ =	shalt  }
0x85: {  	_ =	shalt  }
0x86: {  	_ =	shalt  }
0x87: {  	_ =	shalt  }
.Lfunc_end0:
.L_simem_size_0:
called_computation.1_lowered:
.L_overlay_start_0:
0x88: {  	s2 =	sld [smem:$0x3FD9]  }
0x89: {  	s3 =	sld [smem:$0x3FFE];
	_ =	sdelay $0x1  }
0x8a: {  	s1 =	srdreg.scid  }
0x8b: {  	s0 =	sand.u32 $0x1, s1  }
0x8c: {  	s17 =	sshll.u32 s0, $0xA;
	s2 =	sadd.s32 s3, s2  }
0x8d: {  	s2 =	sadd.s32 s2, s17  }
0x8e: {  	[smem:$0x3FA9] =	sst s2  }
0x8f: {  	_ = 	snop  }
0x90: {  	s18 =	sld [smem:$0x3FD0];
	(tm) =	ssettm $0x1  }
0x91: {  	s19 =	sld [smem:$0x3FFB];
	_ =	sdelay $0x3  }
0x92: {  	_ =	strace s19  }
0x93: {  	s2 =	sld [smem:$0x3FFC];
	_ =	sdelay $0x3  }
0x94: {  	_ =	strace s2  }
0x95: {  	s2 =	sld [smem:$0x3FFD];
	_ =	sdelay $0x3  }
0x96: {  	_ =	strace s2  }
0x97: {  	_ =	strace $0x8FFFFFFF  }
0x98: {  	s20 =	sld [smem:$0x3FDB];
	_ =	sdelay $0x1  }
0x99: {  	s4 =	simm.s32 $_scs_section_size  }
0x9a: {  	s5 =	simm.s32 $_size__tile_overlayer_lowered;
	s6 =	simm.s32 $_tile_overlayer_lowered  }
0x9b: {  	s7 =	simm.s32 $0x1BFF;
	s21 =	sshll.u32 s6, $0x1;
	s4 =	sadd.s32 s4, s20  }
0x9c: {  	s22 =	simm.s32 $0x0;
	s5 =	sshll.u32 s5, $0x1;
	s6 =	sadd.s32 s21, s4  }
0x9d: {  	[timem:s22], [sflag:s7] =	dma.local [hbm:s6], s5  }
0x9e: {  	_ =	swait.ge [sflag:s7], s5  }
0x9f: {  	s5 =	ssub.s32 $0x0, s5;
	[sflag:s7] =	ssyncset.done $0x0  }
0xa0: {  	[sflag:s7] =	ssyncadd.s32 s5;
	_ =	sdelay $0x1  }
0xa1: {  	s23 =	simm.s32 $0x1B8B  }
0xa2: {  	_ =	swait.ge [sflag:s23], $0x1  }
0xa3: {  	[sflag:s23] =	ssyncset.done $0x0  }
0xa4: {  	[sflag:s23] =	ssyncadd.s32 $0xFFFFFFFF  }
0xa5: {  	s5 =	sld [smem:$0x0]  }
0xa6: {  	s6 =	sand.u32 $0xFFFFFFFE, s1  }
0xa7: {  	p0 =	sne.s32 s1, s6  }
0xa8: {  	s6 =	sshll.u32 @p0 s6, $0xE  }
0xa9: {  	s6 =	sadd.s32 @p0 $0x11B8D, s6;
	s7 =	sshll.u32 @p0 s5, $0x11  }
0xaa: {  	s6 =	sor.u32 @p0 s7, s6  }
0xab: {  	[sflag:s6] =	ssyncadd.remote.s32 @p0 $0x1;
	_ =	sdelay $0x1  }
0xac: {  	s6 =	simm.s32 @p0 $0x1B8D  }
0xad: {  	_ =	swait.eq @p0 [sflag:s6], $0x1  }
0xae: {  	[sflag:s6] =	ssyncadd.s32 @p0 $0xFFFFFFFF  }
0xaf: {  	s7 =	sshll.u32 @!p0 s1, $0xE  }
0xb0: {  	s7 =	sor.u32 @!p0 $0x4000, s7;
	s6 =	simm.s32 @!p0 $0x1B8D  }
0xb1: {  	s5 =	sshll.u32 @!p0 s5, $0x11;
	s7 =	sadd.s32 @!p0 $0x11B8D, s7;
	_ =	swait.eq @!p0 [sflag:s6], $0x1  }
0xb2: {  	s5 =	sor.u32 @!p0 s5, s7;
	[sflag:s6] =	ssyncadd.s32 @!p0 $0xFFFFFFFF  }
0xb3: {  	s25 =	simm.s32 $0x1B8E;
	s24 =	sld [smem:$0x3FFE];
	[sflag:s5] =	ssyncadd.remote.s32 @!p0 $0x1  }
0xb4: {  	s26 =	simm.s32 $execute0_lowered;
	[smem:$0x3FD2] =	sst s25  }
0xb5: {  	s6 =	sshll.u32 s26, $0x1;
	_ =	strace $0x80000049;
	[dreg:$0x1] =	wrdreg $0xFFFFFFFF  }
0xb6: {  	s28 =	simm.s32 $_size_execute0_lowered;
	s4 =	sadd.s32 s4, s6;
	[dreg:$0x0] =	wrdreg $0x0  }
0xb7: {  	s6 =	sshll.u32 s28, $0x1;
	[dreg:$0x2] =	wrdreg s4  }
0xb8: {  	[dreg:$0x3] =	wrdreg s6  }
0xb9: {  	[dreg:$0x4] =	wrdreg $0xC0  }
0xba: {  	_ =	task [dreg:s22], $0x5FFFF  }
0xbb: {  	[dreg:$0x1] =	wrdreg $0xFFFFFFFF  }
0xbc: {  	[dreg:$0x0] =	wrdreg $0x60  }
0xbd: {  	[dreg:$0x2] =	wrdreg s24  }
0xbe: {  	[dreg:$0x3] =	wrdreg s18  }
0xbf: {  	[dreg:$0x4] =	wrdreg $0xA  }
0xc0: {  	_ =	task.clear_ibuf [dreg:s22], $0x5FFFF;
	_ =	strace $0x90000049  }
0xc1: {  	s29 =	simm.s32 $0xA;
	_ =	strace $0x8000004B  }
0xc2: {  	_ =	swait.ge [sflag:s29], $0x1  }
0xc3: {  	[sflag:s29] =	ssyncadd.s32 $0xFFFFFFFF  }
0xc4: {  	_ =	strace $0x9000004B  }
0xc5: {  	_ =	sfence  }
0xc6: {  	s30 =	sld [smem:$0x0];
	_ =	sdelay $0x2  }
0xc7: {  	s31 =	sshll.u32 s1, $0xD;
	s1 =	sshrl.u32 s1, $0x2  }
0xc8: {  	s4 =	sand.u32 $0x4000, s31;
	s1 =	sadd.s32 s1, s30  }
0xc9: {  	s0 =	sor.u32 s4, s0;
	s1 =	sshll.u32 s1, $0x11  }
0xca: {  	s0 =	sor.u32 s1, s0  }
0xcb: {  	s0 =	sadd.s32 $0x8F2B, s0  }
0xcc: {  	[sflag:s0] =	ssyncadd.remote.s32 $0x1  }
0xcd: {  	_ =	sfence.sel $0xFFFF  }
0xce: {  	[dreg:$0x0] =	wrdreg $0xFFFFFFFF;
	(pc) =	sbr.abs _section_cstart, $3  }
0xcf: {  	[dreg:$0x1] =	wrdreg $0xFFFFFFFF  }
0xd0: {  	_ =	task.clear_ibuf [dreg:s22], $0x2FFFF;
	_ =	strace $0x9FFFFFFF  }
0xd1: {  	(tm) =	ssettm $0x7FFFFFFF  }
tec
execute0_lowered:
.L_overlay_start_1:
0x0: {  	(tag) =	ssettag $0x1  }
0x1: {  	s1 =	srdreg.scid  }
0x2: {  	s10 =	rddreg [dreg:$0x0];
	s0 =	stileid.u32;
	s16 =	sand.u32 $0x1, s1  }
0x3: {  	s3 =	rddreg [dreg:$0x1];
	s4 =	sshll.u32 s0, $0xA;
	s5 =	sshll.u32 s16, $0x9  }
0x4: {  	s2 =	simm.s32 $0x0;
	s1 =	rddreg [dreg:$0x2];
	s11 =	sor.u32 s5, s4  }
0x5: {  	[smem:$0x7FF] =	sst s2;
	s4 =	sshrl.u32 s11, $0x3  }
0x6: {  	_ =	strace $0x8000004A;
	s4 =	sadd.s32 s3, s4;
	s3 =	simm.s32 $0x3  }
0x7: {  	[tilespmem:s2], [sflag:$0x3] =	stream.linear.gather [hbm4b:s4+s2], $0x200, $0x38;
	[tilespmem:$0x8200] =	vst v63  }
0x8: {  	_ =	swait.ge [sflag:s3], $0x200  }
0x9: {  	s6 =	simm.s32 $0x80;
	[sflag:s3] =	ssyncset.done $0x0  }
0xa: {  	s7 =	simm.s32 $0x200;
	s5 =	sadd.s32 $0x1CAC00, s10;
	[sflag:s3] =	ssyncadd.s32 $0xFFFFFE00  }
0xb: {  	[tilespmem:s7], [sflag:$0x1] =	stream.indirect.gather [hbm4b:s5+s6], $0x80, s2, s6, $0xb8;
	[tilespmem:$0x8200] =	vst v63  }
0xc: {  	s8 =	simm.s32 $0x4200;
	s9 =	simm.s32 $0x1  }
0xd: {  	[tilespmem:s8], [sflag:$0x2] =	stream.indirect.gather [hbm4b:s5+s6], $0x80, s6, s6, $0xb8;
	[tilespmem:$0x8200] =	vst v63  }
0xe: {  	s11 =	sshll.u32 s11, $0x4;
	_ =	swait.ge [sflag:s9], $0x4000  }
0xf: {  	s17 =	sadd.s32 s11, s10;
	[sflag:s9] =	ssyncset.done $0x0  }
0x10: {  	s10 =	sadd.s32 $0x292C00, s17;
	[sflag:s9] =	ssyncadd.s32 $0xFFFFC000  }
0x11: {  	[hbm4b:s10+s2] =	stream.linear.scatter [tilespmem:s7], [sflag:$0x3], $0x4000, $0x38;
	[tilespmem:$0x8200] =	vst v63  }
0x12: {  	_ =	swait.ge [sflag:s3], $0x4000  }
0x13: {  	[sflag:s3] =	ssyncset.done $0x0  }
0x14: {  	s12 =	simm.s32 $0x2;
	s11 =	simm.s32 $0x100;
	[sflag:s3] =	ssyncadd.s32 $0xFFFFC000  }
0x15: {  	[tilespmem:s7], [sflag:$0x1] =	stream.indirect.gather [hbm4b:s5+s6], $0x80, s11, s6, $0xb8;
	[tilespmem:$0x8200] =	vst v63  }
0x16: {  	_ =	swait.ge [sflag:s12], $0x4000  }
0x17: {  	[sflag:s12] =	ssyncset.done $0x0  }
0x18: {  	s13 =	sadd.s32 $0x293400, s17;
	[sflag:s12] =	ssyncadd.s32 $0xFFFFC000  }
0x19: {  	[hbm4b:s13+s2] =	stream.linear.scatter [tilespmem:s8], [sflag:$0x3], $0x4000, $0x38;
	[tilespmem:$0x8200] =	vst v63  }
0x1a: {  	_ =	swait.ge [sflag:s3], $0x4000  }
0x1b: {  	[sflag:s3] =	ssyncset.done $0x0  }
0x1c: {  	s14 =	simm.s32 $0x180;
	[sflag:s3] =	ssyncadd.s32 $0xFFFFC000  }
0x1d: {  	[tilespmem:s8], [sflag:$0x2] =	stream.indirect.gather [hbm4b:s5+s6], $0x80, s14, s6, $0xb8;
	[tilespmem:$0x8200] =	vst v63  }
0x1e: {  	_ =	swait.ge [sflag:s9], $0x4000  }
0x1f: {  	[sflag:s9] =	ssyncset.done $0x0  }
0x20: {  	s16 =	ssub.s32 $0x2, s16;
	s15 =	sadd.s32 $0x293C00, s17;
	[sflag:s9] =	ssyncadd.s32 $0xFFFFC000  }
0x21: {  	[hbm4b:s15+s2] =	stream.linear.scatter [tilespmem:s7], [sflag:$0x3], $0x4000, $0x38;
	[tilespmem:$0x8200] =	vst v63  }
0x22: {  	s18 =	sshrl.u32 s16, $0x1;
	_ =	swait.ge [sflag:s3], $0x4000  }
0x23: {  	s18 =	ssub.s32 s16, s18;
	[sflag:s3] =	ssyncset.done $0x0  }
0x24: {  	s31 =	smax.u32 s18, $0x1;
	[sflag:s3] =	ssyncadd.s32 $0xFFFFC000  }
0x25: {  	p0 =	sne.s32 s31, $0x1;
	_ =	swait.ge [sflag:s12], $0x4000  }
.Ltmp0:
0x26: {  	[sflag:s12] =	ssyncset.done $0x0;
	(pc) =	sbr.rel @!p0 .LBB2_2-.Ltmp0, $4  }
0x27: {  	s16 =	sadd.s32 $0x294400, s17;
	[sflag:s12] =	ssyncadd.s32 $0xFFFFC000  }
0x28: {  	[hbm4b:s16+s2] =	stream.linear.scatter [tilespmem:s8], [sflag:$0x3], $0x4000, $0x38;
	[tilespmem:$0x8200] =	vst v63  }
0x29: {  	_ =	swait.ge [sflag:s3], $0x4000  }
0x2a: {  	s17 =	sadd.s32 $0xFFFFFFFF, s31;
	[sflag:s3] =	ssyncset.done $0x0  }
.LBB2_1:
0x2b: {  	p0 =	sne.s32 s17, $0x1;
	s17 =	sadd.s32 $0xFFFFFFFF, s17;
	[sflag:s3] =	ssyncadd.s32 $0xFFFFC000  }
0x2c: {  	[tilespmem:s2], [sflag:$0x3] =	stream.linear.gather [hbm4b:s4+s2], $0x200, $0x38;
	[tilespmem:$0x8200] =	vst v63  }
0x2d: {  	_ =	swait.ge [sflag:s3], $0x200  }
0x2e: {  	[sflag:s3] =	ssyncset.done $0x0  }
0x2f: {  	[sflag:s3] =	ssyncadd.s32 $0xFFFFFE00  }
0x30: {  	[tilespmem:s7], [sflag:$0x1] =	stream.indirect.gather [hbm4b:s5+s6], $0x80, s2, s6, $0xb8;
	[tilespmem:$0x8200] =	vst v63  }
0x31: {  	_ = 	snop  }
0x32: {  	[tilespmem:s8], [sflag:$0x2] =	stream.indirect.gather [hbm4b:s5+s6], $0x80, s6, s6, $0xb8;
	[tilespmem:$0x8200] =	vst v63  }
0x33: {  	_ =	swait.ge [sflag:s9], $0x4000  }
0x34: {  	[sflag:s9] =	ssyncset.done $0x0  }
0x35: {  	[sflag:s9] =	ssyncadd.s32 $0xFFFFC000  }
0x36: {  	[hbm4b:s10+s2] =	stream.linear.scatter [tilespmem:s7], [sflag:$0x3], $0x4000, $0x38;
	[tilespmem:$0x8200] =	vst v63  }
0x37: {  	_ =	swait.ge [sflag:s3], $0x4000  }
0x38: {  	[sflag:s3] =	ssyncset.done $0x0  }
0x39: {  	[sflag:s3] =	ssyncadd.s32 $0xFFFFC000  }
0x3a: {  	[tilespmem:s7], [sflag:$0x1] =	stream.indirect.gather [hbm4b:s5+s6], $0x80, s11, s6, $0xb8;
	[tilespmem:$0x8200] =	vst v63  }
0x3b: {  	_ =	swait.ge [sflag:s12], $0x4000  }
0x3c: {  	[sflag:s12] =	ssyncset.done $0x0  }
0x3d: {  	[sflag:s12] =	ssyncadd.s32 $0xFFFFC000  }
0x3e: {  	[hbm4b:s13+s2] =	stream.linear.scatter [tilespmem:s8], [sflag:$0x3], $0x4000, $0x38;
	[tilespmem:$0x8200] =	vst v63  }
0x3f: {  	_ =	swait.ge [sflag:s3], $0x4000  }
0x40: {  	[sflag:s3] =	ssyncset.done $0x0  }
0x41: {  	[sflag:s3] =	ssyncadd.s32 $0xFFFFC000  }
0x42: {  	[tilespmem:s8], [sflag:$0x2] =	stream.indirect.gather [hbm4b:s5+s6], $0x80, s14, s6, $0xb8;
	[tilespmem:$0x8200] =	vst v63  }
0x43: {  	_ =	swait.ge [sflag:s9], $0x4000  }
0x44: {  	[sflag:s9] =	ssyncset.done $0x0  }
0x45: {  	[sflag:s9] =	ssyncadd.s32 $0xFFFFC000  }
0x46: {  	[hbm4b:s15+s2] =	stream.linear.scatter [tilespmem:s7], [sflag:$0x3], $0x4000, $0x38;
	[tilespmem:$0x8200] =	vst v63  }
0x47: {  	_ =	swait.ge [sflag:s3], $0x4000  }
0x48: {  	[sflag:s3] =	ssyncset.done $0x0  }
0x49: {  	[sflag:s3] =	ssyncadd.s32 $0xFFFFC000  }
0x4a: {  	_ =	swait.ge [sflag:s12], $0x4000  }
.Ltmp1:
0x4b: {  	[sflag:s12] =	ssyncset.done $0x0;
	(pc) =	sbr.rel @p0 .LBB2_1-.Ltmp1, $4  }
0x4c: {  	[sflag:s12] =	ssyncadd.s32 $0xFFFFC000  }
0x4d: {  	[hbm4b:s16+s2] =	stream.linear.scatter [tilespmem:s8], [sflag:$0x3], $0x4000, $0x38;
	[tilespmem:$0x8200] =	vst v63  }
0x4e: {  	_ =	swait.ge [sflag:s3], $0x4000  }
0x4f: {  	[sflag:s3] =	ssyncset.done $0x0  }
.LBB2_2:
0x50: {  	[sflag:s3] =	ssyncadd.s32 $0xFFFFC000  }
0x51: {  	_ =	sfence.sel $0x180000  }
0x52: {  	[bflag:$0x0] =	sbarrier.arrive $0xFFFF  }
0x53: {  	p0 =	sne.s32 s0, $0x0;
	_ =	strace $0x9000004A  }
0x54: {  	s0 =	sadd.s32 @!p0 $0x100000, s1;
	[bflag:$0x2] =	sbarrier.arrive $0xFFFF  }
0x55: {  	[sflag:s0] =	ssyncadd.tile.s32 @!p0 $0x1;
	_ =	shalt  }
.Lfunc_end2:
_tile_overlayer_lowered:
.L_overlay_start_2:
0x56: {  	(tag) =	ssettag $0x2  }
0x57: {  	s0 =	rddreg [dreg:$0x0];
	s2 =	stileid.u32  }
0x58: {  	s1 =	rddreg [dreg:$0x1];
	p0 =	sne.s32 s2, $0x0  }
0x59: {  	s3 =	rddreg [dreg:$0x2];
	[bflag:$0x3] =	sbarrier.arrive $0xFFFF;
	s2 =	simm.s32 @!p0 $0x1C03  }
0x5a: {  	[timem:s3], [sflag:s2] =	dma.local @!p0 [hbm:s0], s1  }
0x5b: {  	s0 =	simm.s32 @!p0 $0x3  }
0x5c: {  	_ =	swait.ge @!p0 [sflag:s0], s1  }
0x5d: {  	s1 =	ssub.s32 @!p0 $0x0, s1;
	[sflag:s0] =	ssyncset.done @!p0 $0x0  }
0x5e: {  	[sflag:s0] =	ssyncadd.s32 @!p0 s1  }
0x5f: {  	[bflag:$0x3] =	sbarrier.arrive $0xFFFF  }
0x60: {  	_ =	shalt  }

// kernel: kernel.7.cloned.1.call-start
scs
__scs_entry_jumppad:
0x0: {  	(pc) =	sbr.rel $0x88, $3  }
0x1: {  	(tag) =	ssettag $0x0;
	lr =	simm.s32 $0x1  }
0x2: {  	[smem:$0x3F82] =	sst lr;
	_ =	strace $0xD0000000  }
0x3: {  	_ = 	snop  }
0x4: {  	_ = 	snop  }
0x5: {  	_ = 	snop  }
0x6: {  	_ = 	snop  }
0x7: {  	_ = 	snop  }
__scs_overlays_trampoline_lowered:
0x8: {  	[smem:$0x3F91] =	sst s0  }
0x9: {  	[smem:$0x3F92] =	sst s1  }
0xa: {  	[smem:$0x3F93] =	sst s2  }
0xb: {  	[smem:$0x3F94] =	sst s3  }
0xc: {  	[smem:$0x3F95] =	sst s4  }
0xd: {  	[smem:$0x3F96] =	sst s5  }
0xe: {  	[smem:$0x3F97] =	sst s6  }
0xf: {  	[smem:$0x3F98] =	sst s7  }
0x10: {  	[smem:$0x3F99] =	sst s8  }
0x11: {  	[smem:$0x3F9A] =	sst s9;
	s0 =	simm.s32 @!p0 $0x0  }
0x12: {  	s1 =	sld [smem:$0x3F80];
	s0 =	simm.s32 @p0 $0x1  }
0x13: {  	[smem:$0x3F9B] =	sst s0;
	s0 =	simm.s32 @!p1 $0x0  }
0x14: {  	s2 =	sld [smem:$0x3F7F];
	s0 =	simm.s32 @p1 $0x1  }
0x15: {  	[smem:$0x3F9C] =	sst s0;
	s0 =	simm.s32 @!p2 $0x0  }
0x16: {  	s3 =	sld [smem:$0x3FDB];
	s0 =	simm.s32 @p2 $0x1  }
0x17: {  	s4 =	simm.s32 $0x1BF5;
	[smem:$0x3F9E] =	sst s0  }
0x18: {  	s0 =	sld [smem:$0x3F81];
	_ =	swait.ge [sflag:s4], $0x0  }
0x19: {  	s7 =	sld [smem:$0x3F82]  }
0x1a: {  	s8 =	sadd.s32 $0xFFFFE003, lr  }
0x1b: {  	s9 =	sadd.s32 $0xFFFFFEF7, lr;
	s5 =	simm.s32 $0xFFFFFFFF;
	p2 =	slt.u32 s8, $0xFFFFF086  }
0x1c: {  	p1 =	slt.u32 s9, $0xF7A;
	s5 =	simm.s32 @!p2 $0x0  }
0x1d: {  	s5 =	simm.s32 @p1 $0x1;
	p0 =	seq.s32 s7, s2  }
0x1e: {  	s7 =	smul.u32 @!p0 $0xF7A, s2;
	p2 =	seq.s32 @!p0 s5, $0x0  }
0x1f: {  	s9 =	smul.u32 $0xF7A, s1;
	s8 =	simm.s32 @!p0 $0x1BF5;
	p2 =	por !p2, p0  }
0x20: {  	[sflag:s8] =	ssyncset.s32 @!p0 $0xFFFFF086;
	s6 =	sadd.s32 @!p0 s3, s7;
	s7 =	simm.s32 @!p0 $0x108  }
0x21: {  	s3 =	sadd.s32 s3, s9;
	s6 =	sadd.s32 @!p0 $0x88, s6;
	s7 =	simm.s32 @p2 $0x1082  }
0x22: {  	[simem:s7], [sflag:s8] =	dma.local @!p0 [hbm:s6], $0xF7A  }
0x23: {  	s9 =	sor.u32 $0xD0000000, s2;
	s6 =	simm.s32 $0x108;
	_ =	swait.ge @!p0 [sflag:s8], $0x0  }
0x24: {  	s3 =	sadd.s32 $0x88, s3;
	s6 =	simm.s32 @!p1 $0x1082;
	[sflag:s4] =	ssyncset.s32 $0xFFFFF086  }
0x25: {  	[simem:s6], [sflag:s4] =	dma.local [hbm:s3], $0xF7A  }
0x26: {  	[smem:$0x3F82] =	sst s1;
	(tag) =	ssettag s2;
	_ =	strace s9  }
0x27: {  	s1 =	sld [smem:$0x3F92]  }
0x28: {  	s2 =	sld [smem:$0x3F93]  }
0x29: {  	s4 =	sld [smem:$0x3F95]  }
0x2a: {  	p0 =	seq.s32 s5, $0x0;
	s5 =	sld [smem:$0x3F96]  }
0x2b: {  	s6 =	sld [smem:$0x3F97]  }
0x2c: {  	s7 =	sld [smem:$0x3F98]  }
0x2d: {  	s3 =	simm.s32 $0x108;
	s8 =	sld [smem:$0x3F99]  }
0x2e: {  	s3 =	simm.s32 @!p0 $0x1082;
	s9 =	sld [smem:$0x3F9A]  }
0x2f: {  	lr =	sadd.s32 s0, s3;
	s0 =	sld [smem:$0x3F91]  }
0x30: {  	s3 =	sld [smem:$0x3F94]  }
0x31: {  	[smem:$0x3F9D] =	sst s10  }
0x32: {  	s10 =	sld [smem:$0x3F9B];
	_ =	sdelay $0x3  }
0x33: {  	p0 =	seq.s32 s10, $0x1;
	s10 =	sld [smem:$0x3F9D];
	_ =	sdelay $0x3  }
0x34: {  	[smem:$0x3F9D] =	sst s10  }
0x35: {  	s10 =	sld [smem:$0x3F9C];
	_ =	sdelay $0x3  }
0x36: {  	p1 =	seq.s32 s10, $0x1;
	s10 =	sld [smem:$0x3F9D];
	_ =	sdelay $0x3  }
0x37: {  	[smem:$0x3F9D] =	sst s10  }
0x38: {  	s10 =	sld [smem:$0x3F9E]  }
0x39: {  	_ = 	snop;
	(pc) =	sbr.ind lr, $3  }
0x3a: {  	_ = 	snop  }
0x3b: {  	_ = 	snop  }
0x3c: {  	p2 =	seq.s32 s10, $0x1;
	s10 =	sld [smem:$0x3F9D]  }
0x3d: {  	_ =	shalt  }
0x3e: {  	_ =	shalt  }
0x3f: {  	_ =	shalt  }
0x40: {  	_ =	shalt  }
0x41: {  	_ =	shalt  }
0x42: {  	_ =	shalt  }
0x43: {  	_ =	shalt  }
0x44: {  	_ =	shalt  }
0x45: {  	_ =	shalt  }
0x46: {  	_ =	shalt  }
0x47: {  	_ =	shalt  }
0x48: {  	_ =	shalt  }
0x49: {  	_ =	shalt  }
0x4a: {  	_ =	shalt  }
0x4b: {  	_ =	shalt  }
0x4c: {  	_ =	shalt  }
0x4d: {  	_ =	shalt  }
0x4e: {  	_ =	shalt  }
0x4f: {  	_ =	shalt  }
0x50: {  	_ =	shalt  }
0x51: {  	_ =	shalt  }
0x52: {  	_ =	shalt  }
0x53: {  	_ =	shalt  }
0x54: {  	_ =	shalt  }
0x55: {  	_ =	shalt  }
0x56: {  	_ =	shalt  }
0x57: {  	_ =	shalt  }
0x58: {  	_ =	shalt  }
0x59: {  	_ =	shalt  }
0x5a: {  	_ =	shalt  }
0x5b: {  	_ =	shalt  }
0x5c: {  	_ =	shalt  }
0x5d: {  	_ =	shalt  }
0x5e: {  	_ =	shalt  }
0x5f: {  	_ =	shalt  }
0x60: {  	_ =	shalt  }
0x61: {  	_ =	shalt  }
0x62: {  	_ =	shalt  }
0x63: {  	_ =	shalt  }
0x64: {  	_ =	shalt  }
0x65: {  	_ =	shalt  }
0x66: {  	_ =	shalt  }
0x67: {  	_ =	shalt  }
0x68: {  	_ =	shalt  }
0x69: {  	_ =	shalt  }
0x6a: {  	_ =	shalt  }
0x6b: {  	_ =	shalt  }
0x6c: {  	_ =	shalt  }
0x6d: {  	_ =	shalt  }
0x6e: {  	_ =	shalt  }
0x6f: {  	_ =	shalt  }
0x70: {  	_ =	shalt  }
0x71: {  	_ =	shalt  }
0x72: {  	_ =	shalt  }
0x73: {  	_ =	shalt  }
0x74: {  	_ =	shalt  }
0x75: {  	_ =	shalt  }
0x76: {  	_ =	shalt  }
0x77: {  	_ =	shalt  }
0x78: {  	_ =	shalt  }
0x79: {  	_ =	shalt  }
0x7a: {  	_ =	shalt  }
0x7b: {  	_ =	shalt  }
0x7c: {  	_ =	shalt  }
0x7d: {  	_ =	shalt  }
0x7e: {  	_ =	shalt  }
0x7f: {  	_ =	shalt  }
0x80: {  	_ =	shalt  }
0x81: {  	_ =	shalt  }
0x82: {  	_ =	shalt  }
0x83: {  	_ =	shalt  }
0x84: {  	_ =	shalt  }
0x85: {  	_ =	shalt  }
0x86: {  	_ =	shalt  }
0x87: {  	_ =	shalt  }
.Lfunc_end0:
.L_simem_size_0:
called_computation_lowered:
.L_overlay_start_0:
0x88: {  	s2 =	sld [smem:$0x3FD9]  }
0x89: {  	s3 =	sld [smem:$0x3FFE];
	_ =	sdelay $0x1  }
0x8a: {  	s1 =	srdreg.scid  }
0x8b: {  	s0 =	sand.u32 $0x1, s1  }
0x8c: {  	s17 =	sshll.u32 s0, $0xA;
	s2 =	sadd.s32 s3, s2  }
0x8d: {  	s2 =	sadd.s32 s2, s17  }
0x8e: {  	[smem:$0x3FA9] =	sst s2  }
0x8f: {  	_ = 	snop  }
0x90: {  	s2 =	sld [smem:$0x3FAB];
	(tm) =	ssettm $0x1  }
0x91: {  	s18 =	sld [smem:$0x3FFB];
	_ =	sdelay $0x3  }
0x92: {  	_ =	strace s18  }
0x93: {  	s3 =	sld [smem:$0x3FFC];
	_ =	sdelay $0x3  }
0x94: {  	_ =	strace s3  }
0x95: {  	s3 =	sld [smem:$0x3FFD];
	_ =	sdelay $0x3  }
0x96: {  	_ =	strace s3  }
0x97: {  	_ =	strace $0x8FFFFFFF  }
0x98: {  	s19 =	sld [smem:$0x3FDB];
	_ =	sdelay $0x1  }
0x99: {  	s4 =	simm.s32 $_scs_section_size  }
0x9a: {  	s5 =	simm.s32 $_size__tile_overlayer_lowered;
	s6 =	simm.s32 $_tile_overlayer_lowered  }
0x9b: {  	s22 =	simm.s32 $0x1BFF;
	s21 =	sshll.u32 s6, $0x1;
	s3 =	sadd.s32 s4, s19  }
0x9c: {  	s7 =	simm.s32 $0x0;
	s20 =	sshll.u32 s5, $0x1;
	s5 =	sadd.s32 s21, s3  }
0x9d: {  	[timem:s7], [sflag:s22] =	dma.local [hbm:s5], s20  }
0x9e: {  	_ =	swait.ge [sflag:s22], s20  }
0x9f: {  	s4 =	ssub.s32 $0x0, s20;
	[sflag:s22] =	ssyncset.done $0x0  }
0xa0: {  	[sflag:s22] =	ssyncadd.s32 s4;
	_ =	sdelay $0x1  }
0xa1: {  	s23 =	simm.s32 $0x1B8B  }
0xa2: {  	_ =	swait.ge [sflag:s23], $0x1  }
0xa3: {  	[sflag:s23] =	ssyncset.done $0x0  }
0xa4: {  	s25 =	simm.s32 $0x1B8E;
	s24 =	sld [smem:$0x3FFE];
	[sflag:s23] =	ssyncadd.s32 $0xFFFFFFFF  }
0xa5: {  	s26 =	simm.s32 $execute0_lowered;
	[smem:$0x3FD2] =	sst s25  }
0xa6: {  	s5 =	sshll.u32 s26, $0x1;
	_ =	strace $0x80000046;
	[dreg:$0x1] =	wrdreg $0xFFFFFFFF  }
0xa7: {  	s28 =	simm.s32 $_size_execute0_lowered;
	s3 =	sadd.s32 s3, s5;
	[dreg:$0x0] =	wrdreg $0x0  }
0xa8: {  	s5 =	sshll.u32 s28, $0x1;
	[dreg:$0x2] =	wrdreg s3  }
0xa9: {  	[dreg:$0x3] =	wrdreg s5  }
0xaa: {  	[dreg:$0x4] =	wrdreg $0xC0  }
0xab: {  	_ =	task [dreg:s7], $0x5FFFF  }
0xac: {  	[dreg:$0x1] =	wrdreg $0xFFFFFFFF  }
0xad: {  	[dreg:$0x0] =	wrdreg $0x60  }
0xae: {  	[dreg:$0x2] =	wrdreg s24  }
0xaf: {  	[dreg:$0x3] =	wrdreg s2  }
0xb0: {  	[dreg:$0x4] =	wrdreg $0x9  }
0xb1: {  	_ =	task.clear_ibuf [dreg:s7], $0x5FFFF;
	_ =	strace $0x90000046  }
0xb2: {  	s29 =	simm.s32 $0x9;
	_ =	strace $0x80000048  }
0xb3: {  	_ =	swait.ge [sflag:s29], $0x1  }
0xb4: {  	[sflag:s29] =	ssyncadd.s32 $0xFFFFFFFF  }
0xb5: {  	_ =	strace $0x90000048  }
0xb6: {  	_ =	sfence  }
0xb7: {  	s30 =	sld [smem:$0x0];
	_ =	sdelay $0x2  }
0xb8: {  	s31 =	sshll.u32 s1, $0xD;
	s1 =	sshrl.u32 s1, $0x2  }
0xb9: {  	s3 =	sand.u32 $0x4000, s31;
	s1 =	sadd.s32 s1, s30  }
0xba: {  	s0 =	sor.u32 s3, s0;
	s1 =	sshll.u32 s1, $0x11  }
0xbb: {  	s0 =	sor.u32 s1, s0  }
0xbc: {  	s0 =	sadd.s32 $0x8F2B, s0  }
0xbd: {  	[sflag:s0] =	ssyncadd.remote.s32 $0x1  }
0xbe: {  	_ =	sfence.sel $0xFFFF  }
0xbf: {  	[dreg:$0x0] =	wrdreg $0xFFFFFFFF;
	(pc) =	sbr.abs _section_cstart, $3  }
0xc0: {  	[dreg:$0x1] =	wrdreg $0xFFFFFFFF  }
0xc1: {  	_ =	task.clear_ibuf [dreg:s7], $0x2FFFF;
	_ =	strace $0x9FFFFFFF  }
0xc2: {  	(tm) =	ssettm $0x7FFFFFFF  }
0xc3: {  	_ =	shalt  }
tec
execute0_lowered:
.L_overlay_start_1:
0x0: {  	(tag) =	ssettag $0x1  }
0x1: {  	s1 =	srdreg.scid  }
0x2: {  	s10 =	rddreg [dreg:$0x0];
	s0 =	stileid.u32;
	s16 =	sand.u32 $0x1, s1  }
0x3: {  	s3 =	rddreg [dreg:$0x1];
	s4 =	sshll.u32 s0, $0xA;
	s5 =	sshll.u32 s16, $0x9  }
0x4: {  	s2 =	simm.s32 $0x0;
	s1 =	rddreg [dreg:$0x2];
	s11 =	sor.u32 s5, s4  }
0x5: {  	[smem:$0x7FF] =	sst s2;
	s4 =	sshrl.u32 s11, $0x3  }
0x6: {  	_ =	strace $0x80000047;
	s4 =	sadd.s32 s3, s4;
	s3 =	simm.s32 $0x3  }
0x7: {  	[tilespmem:s2], [sflag:$0x3] =	stream.linear.gather [hbm4b:s4+s2], $0x200, $0x38;
	[tilespmem:$0x8200] =	vst v63  }
0x8: {  	_ =	swait.ge [sflag:s3], $0x200  }
0x9: {  	s6 =	simm.s32 $0x80;
	[sflag:s3] =	ssyncset.done $0x0  }
0xa: {  	s7 =	simm.s32 $0x200;
	s5 =	sadd.s32 $0x4200, s10;
	[sflag:s3] =	ssyncadd.s32 $0xFFFFFE00  }
0xb: {  	[tilespmem:s7], [sflag:$0x1] =	stream.indirect.gather [hbm4b:s5+s6], $0x80, s2, s6, $0xb8;
	[tilespmem:$0x8200] =	vst v63  }
0xc: {  	s8 =	simm.s32 $0x4200;
	s9 =	simm.s32 $0x1  }
0xd: {  	[tilespmem:s8], [sflag:$0x2] =	stream.indirect.gather [hbm4b:s5+s6], $0x80, s6, s6, $0xb8;
	[tilespmem:$0x8200] =	vst v63  }
0xe: {  	s11 =	sshll.u32 s11, $0x4;
	_ =	swait.ge [sflag:s9], $0x4000  }
0xf: {  	s17 =	sadd.s32 s11, s10;
	[sflag:s9] =	ssyncset.done $0x0  }
0x10: {  	s10 =	sadd.s32 $0x18AC00, s17;
	[sflag:s9] =	ssyncadd.s32 $0xFFFFC000  }
0x11: {  	[hbm4b:s10+s2] =	stream.linear.scatter [tilespmem:s7], [sflag:$0x3], $0x4000, $0x38;
	[tilespmem:$0x8200] =	vst v63  }
0x12: {  	_ =	swait.ge [sflag:s3], $0x4000  }
0x13: {  	[sflag:s3] =	ssyncset.done $0x0  }
0x14: {  	s12 =	simm.s32 $0x2;
	s11 =	simm.s32 $0x100;
	[sflag:s3] =	ssyncadd.s32 $0xFFFFC000  }
0x15: {  	[tilespmem:s7], [sflag:$0x1] =	stream.indirect.gather [hbm4b:s5+s6], $0x80, s11, s6, $0xb8;
	[tilespmem:$0x8200] =	vst v63  }
0x16: {  	_ =	swait.ge [sflag:s12], $0x4000  }
0x17: {  	[sflag:s12] =	ssyncset.done $0x0  }
0x18: {  	s13 =	sadd.s32 $0x18B400, s17;
	[sflag:s12] =	ssyncadd.s32 $0xFFFFC000  }
0x19: {  	[hbm4b:s13+s2] =	stream.linear.scatter [tilespmem:s8], [sflag:$0x3], $0x4000, $0x38;
	[tilespmem:$0x8200] =	vst v63  }
0x1a: {  	_ =	swait.ge [sflag:s3], $0x4000  }
0x1b: {  	[sflag:s3] =	ssyncset.done $0x0  }
0x1c: {  	s14 =	simm.s32 $0x180;
	[sflag:s3] =	ssyncadd.s32 $0xFFFFC000  }
0x1d: {  	[tilespmem:s8], [sflag:$0x2] =	stream.indirect.gather [hbm4b:s5+s6], $0x80, s14, s6, $0xb8;
	[tilespmem:$0x8200] =	vst v63  }
0x1e: {  	_ =	swait.ge [sflag:s9], $0x4000  }
0x1f: {  	[sflag:s9] =	ssyncset.done $0x0  }
0x20: {  	s16 =	ssub.s32 $0x2, s16;
	s15 =	sadd.s32 $0x18BC00, s17;
	[sflag:s9] =	ssyncadd.s32 $0xFFFFC000  }
0x21: {  	[hbm4b:s15+s2] =	stream.linear.scatter [tilespmem:s7], [sflag:$0x3], $0x4000, $0x38;
	[tilespmem:$0x8200] =	vst v63  }
0x22: {  	s18 =	sshrl.u32 s16, $0x1;
	_ =	swait.ge [sflag:s3], $0x4000  }
0x23: {  	s18 =	ssub.s32 s16, s18;
	[sflag:s3] =	ssyncset.done $0x0  }
0x24: {  	s31 =	smax.u32 s18, $0x1;
	[sflag:s3] =	ssyncadd.s32 $0xFFFFC000  }
0x25: {  	p0 =	sne.s32 s31, $0x1;
	_ =	swait.ge [sflag:s12], $0x4000  }
.Ltmp0:
0x26: {  	[sflag:s12] =	ssyncset.done $0x0;
	(pc) =	sbr.rel @!p0 .LBB2_2-.Ltmp0, $4  }
0x27: {  	s16 =	sadd.s32 $0x18C400, s17;
	[sflag:s12] =	ssyncadd.s32 $0xFFFFC000  }
0x28: {  	[hbm4b:s16+s2] =	stream.linear.scatter [tilespmem:s8], [sflag:$0x3], $0x4000, $0x38;
	[tilespmem:$0x8200] =	vst v63  }
0x29: {  	_ =	swait.ge [sflag:s3], $0x4000  }
0x2a: {  	s17 =	sadd.s32 $0xFFFFFFFF, s31;
	[sflag:s3] =	ssyncset.done $0x0  }
.LBB2_1:
0x2b: {  	p0 =	sne.s32 s17, $0x1;
	s17 =	sadd.s32 $0xFFFFFFFF, s17;
	[sflag:s3] =	ssyncadd.s32 $0xFFFFC000  }
0x2c: {  	[tilespmem:s2], [sflag:$0x3] =	stream.linear.gather [hbm4b:s4+s2], $0x200, $0x38;
	[tilespmem:$0x8200] =	vst v63  }
0x2d: {  	_ =	swait.ge [sflag:s3], $0x200  }
0x2e: {  	[sflag:s3] =	ssyncset.done $0x0  }
0x2f: {  	[sflag:s3] =	ssyncadd.s32 $0xFFFFFE00  }
0x30: {  	[tilespmem:s7], [sflag:$0x1] =	stream.indirect.gather [hbm4b:s5+s6], $0x80, s2, s6, $0xb8;
	[tilespmem:$0x8200] =	vst v63  }
0x31: {  	_ = 	snop  }
0x32: {  	[tilespmem:s8], [sflag:$0x2] =	stream.indirect.gather [hbm4b:s5+s6], $0x80, s6, s6, $0xb8;
	[tilespmem:$0x8200] =	vst v63  }
0x33: {  	_ =	swait.ge [sflag:s9], $0x4000  }
0x34: {  	[sflag:s9] =	ssyncset.done $0x0  }
0x35: {  	[sflag:s9] =	ssyncadd.s32 $0xFFFFC000  }
0x36: {  	[hbm4b:s10+s2] =	stream.linear.scatter [tilespmem:s7], [sflag:$0x3], $0x4000, $0x38;
	[tilespmem:$0x8200] =	vst v63  }
0x37: {  	_ =	swait.ge [sflag:s3], $0x4000  }
0x38: {  	[sflag:s3] =	ssyncset.done $0x0  }
0x39: {  	[sflag:s3] =	ssyncadd.s32 $0xFFFFC000  }
0x3a: {  	[tilespmem:s7], [sflag:$0x1] =	stream.indirect.gather [hbm4b:s5+s6], $0x80, s11, s6, $0xb8;
	[tilespmem:$0x8200] =	vst v63  }
0x3b: {  	_ =	swait.ge [sflag:s12], $0x4000  }
0x3c: {  	[sflag:s12] =	ssyncset.done $0x0  }
0x3d: {  	[sflag:s12] =	ssyncadd.s32 $0xFFFFC000  }
0x3e: {  	[hbm4b:s13+s2] =	stream.linear.scatter [tilespmem:s8], [sflag:$0x3], $0x4000, $0x38;
	[tilespmem:$0x8200] =	vst v63  }
0x3f: {  	_ =	swait.ge [sflag:s3], $0x4000  }
0x40: {  	[sflag:s3] =	ssyncset.done $0x0  }
0x41: {  	[sflag:s3] =	ssyncadd.s32 $0xFFFFC000  }
0x42: {  	[tilespmem:s8], [sflag:$0x2] =	stream.indirect.gather [hbm4b:s5+s6], $0x80, s14, s6, $0xb8;
	[tilespmem:$0x8200] =	vst v63  }
0x43: {  	_ =	swait.ge [sflag:s9], $0x4000  }
0x44: {  	[sflag:s9] =	ssyncset.done $0x0  }
0x45: {  	[sflag:s9] =	ssyncadd.s32 $0xFFFFC000  }
0x46: {  	[hbm4b:s15+s2] =	stream.linear.scatter [tilespmem:s7], [sflag:$0x3], $0x4000, $0x38;
	[tilespmem:$0x8200] =	vst v63  }
0x47: {  	_ =	swait.ge [sflag:s3], $0x4000  }
0x48: {  	[sflag:s3] =	ssyncset.done $0x0  }
0x49: {  	[sflag:s3] =	ssyncadd.s32 $0xFFFFC000  }
0x4a: {  	_ =	swait.ge [sflag:s12], $0x4000  }
.Ltmp1:
0x4b: {  	[sflag:s12] =	ssyncset.done $0x0;
	(pc) =	sbr.rel @p0 .LBB2_1-.Ltmp1, $4  }
0x4c: {  	[sflag:s12] =	ssyncadd.s32 $0xFFFFC000  }
0x4d: {  	[hbm4b:s16+s2] =	stream.linear.scatter [tilespmem:s8], [sflag:$0x3], $0x4000, $0x38;
	[tilespmem:$0x8200] =	vst v63  }
0x4e: {  	_ =	swait.ge [sflag:s3], $0x4000  }
0x4f: {  	[sflag:s3] =	ssyncset.done $0x0  }
.LBB2_2:
0x50: {  	[sflag:s3] =	ssyncadd.s32 $0xFFFFC000  }
0x51: {  	_ =	sfence.sel $0x180000  }
0x52: {  	[bflag:$0x0] =	sbarrier.arrive $0xFFFF  }
0x53: {  	p0 =	sne.s32 s0, $0x0;
	_ =	strace $0x90000047  }
0x54: {  	s0 =	sadd.s32 @!p0 $0x100000, s1;
	[bflag:$0x2] =	sbarrier.arrive $0xFFFF  }
0x55: {  	[sflag:s0] =	ssyncadd.tile.s32 @!p0 $0x1;
	_ =	shalt  }
.Lfunc_end2:
_tile_overlayer_lowered:
.L_overlay_start_2:
0x56: {  	(tag) =	ssettag $0x2  }
0x57: {  	s0 =	rddreg [dreg:$0x0];
	s2 =	stileid.u32  }
0x58: {  	s1 =	rddreg [dreg:$0x1];
	p0 =	sne.s32 s2, $0x0  }
0x59: {  	s3 =	rddreg [dreg:$0x2];
	[bflag:$0x3] =	sbarrier.arrive $0xFFFF;
	s2 =	simm.s32 @!p0 $0x1C03  }
0x5a: {  	[timem:s3], [sflag:s2] =	dma.local @!p0 [hbm:s0], s1  }
0x5b: {  	s0 =	simm.s32 @!p0 $0x3  }
0x5c: {  	_ =	swait.ge @!p0 [sflag:s0], s1  }
0x5d: {  	s1 =	ssub.s32 @!p0 $0x0, s1;
	[sflag:s0] =	ssyncset.done @!p0 $0x0  }
0x5e: {  	[sflag:s0] =	ssyncadd.s32 @!p0 s1  }
0x5f: {  	[bflag:$0x3] =	sbarrier.arrive $0xFFFF  }
0x60: {  	_ =	shalt  }

</sc_bundles>
